<compile_context>
chip_gen: v7x
topology: tpu7x:2x2x1
jax: 0.10.2.dev20260603
libtpu: 0.0.44.dev20260713+nightly
codegen_flags: <defaults>
</compile_context>

<pallas_src>
import functools

import jax
import jax.numpy as jnp
from jax import lax
from jax.experimental import pallas as pl
from jax.experimental.pallas import tpu as pltpu
from jax.experimental.pallas import tpu_sc as plsc

_THRESH = 0.7
_MIN_KEPT = 100000
_C = 8
_LANES = 128
_R = 1024


def _softmax_stats(x, t):
    e = jnp.exp(x)
    s = jnp.sum(e, axis=0)
    et = jnp.zeros_like(s)
    xt = jnp.zeros_like(s)
    for c in range(_C):
        sel = t == c
        et = jnp.where(sel, e[c], et)
        xt = jnp.where(sel, x[c], xt)
    p = et / s
    nll = jnp.log(s) - xt
    return p, nll


def _partials_body(pred_ref, tgt_ref, cnt_ref, sum_ref):
    i = pl.program_id(0)
    j = pl.program_id(1)
    x = pred_ref[0]
    t = tgt_ref[0]
    e = jnp.exp(x)
    s = jnp.sum(e, axis=0)
    et = jnp.zeros_like(s)
    xt = jnp.zeros_like(s)
    for c in range(_C):
        sel = t == c
        et = jnp.where(sel, e[c], et)
        xt = jnp.where(sel, x[c], xt)
    keep = (et <= _THRESH * s).astype(jnp.float32)
    nll = jnp.log(s) - xt
    pc = jnp.sum(keep)
    ps = jnp.sum(nll * keep)
    first = jnp.logical_and(i == 0, j == 0)
    prev_c = jnp.where(first, 0.0, cnt_ref[0, 0])
    prev_s = jnp.where(first, 0.0, sum_ref[0, 0])
    cnt_ref[0, 0] = prev_c + pc
    sum_ref[0, 0] = prev_s + ps


def _pnll_body(pred_ref, tgt_ref, p_ref, nll_ref):
    x = pred_ref[0]
    t = tgt_ref[0]
    p, nll = _softmax_stats(x, t)
    p_ref[0] = p
    nll_ref[0] = nll


_SC_NW = 16
_SC_CHUNK = 8192


def _sc_select(n_pix):
    pw = n_pix // _SC_NW
    nv = pw // 16
    mesh = plsc.VectorSubcoreMesh(
        core_axis_name="c", subcore_axis_name="s", num_cores=1,
        num_subcores=_SC_NW)

    @functools.partial(
        pl.kernel,
        out_type=jax.ShapeDtypeStruct((16,), jnp.float32),
        mesh=mesh,
        scratch_types=[
            pltpu.VMEM((pw,), jnp.int32),
            pltpu.VMEM((_SC_CHUNK,), jnp.float32),
            pltpu.VMEM((16,), jnp.float32),
            pltpu.VMEM((16 * _SC_NW,), jnp.float32),
            pltpu.VMEM_SHARED((16 * _SC_NW,), jnp.float32),
        ],
    )
    def sel(p_hbm, nll_hbm, out_hbm, p_v, nll_c, stage, exch_v, exch_sh):
        wid = lax.axis_index("s")
        base = wid * pw
        pltpu.sync_copy(p_hbm.at[pl.ds(base, pw)], p_v)

        ones16 = jnp.full((16,), 1.0, jnp.float32)
        zeros16 = jnp.zeros((16,), jnp.float32)

        def gsum(local_vec):
            stage[...] = local_vec
            pltpu.sync_copy(stage, exch_sh.at[pl.ds(wid * 16, 16)])
            plsc.subcore_barrier()
            pltpu.sync_copy(exch_sh, exch_v)
            tot = lax.fori_loop(
                0, _SC_NW,
                lambda r, a: a + exch_v[pl.ds(r * 16, 16)],
                jnp.zeros((16,), jnp.float32))
            plsc.subcore_barrier()
            total = tot[0]
            for i in range(1, 16):
                total = total + tot[i]
            return jnp.full((16,), total, jnp.float32)

        def count_le(midv):
            def body(v, acc):
                bits = p_v[pl.ds(v * 16, 16)]
                return acc + jnp.where(bits <= midv, ones16, zeros16)
            return lax.fori_loop(0, nv, body, jnp.zeros((16,), jnp.float32))

        kvec = jnp.full((16,), float(_MIN_KEPT), jnp.float32)

        def bs_step(_, carry):
            lo, hi = carry
            mid = lax.shift_right_logical(lo + hi, 1)
            cnt = gsum(count_le(mid))
            ge = cnt >= kvec
            return (jnp.where(ge, lo, mid + 1), jnp.where(ge, mid, hi))

        hi0 = jnp.full((16,), jnp.int32(0x3F800000), jnp.int32)
        _, hi = lax.fori_loop(
            0, 31, bs_step, (jnp.zeros((16,), jnp.int32), hi0))
        thrv = jnp.maximum(
            hi, jnp.full((16,), jnp.int32(0x3F333333), jnp.int32))

        cvn = _SC_CHUNK // 16

        def chunk_body(ci, carry):
            s, c = carry
            pltpu.sync_copy(
                nll_hbm.at[pl.ds(base + ci * _SC_CHUNK, _SC_CHUNK)], nll_c)

            def body(v, sc2):
                s2, c2 = sc2
                pv = p_v[pl.ds(ci * _SC_CHUNK + v * 16, 16)]
                nvv = nll_c[pl.ds(v * 16, 16)]
                keep = pv <= thrv
                s2 = s2 + jnp.where(keep, nvv, zeros16)
                c2 = c2 + jnp.where(keep, ones16, zeros16)
                return (s2, c2)

            return lax.fori_loop(0, cvn, body, (s, c))

        z16 = jnp.zeros((16,), jnp.float32)
        ls, lc = lax.fori_loop(0, pw // _SC_CHUNK, chunk_body, (z16, z16))
        loss = gsum(ls) / gsum(lc)

        @pl.when(wid == 0)
        def _():
            stage[...] = loss
            pltpu.sync_copy(stage, out_hbm)

    return sel


def _fallback(pred4, tgt3):
    n = pred4.shape[0]
    rows = pred4.shape[2]
    grid = (n, rows // _R)
    p, nll = pl.pallas_call(
        _pnll_body,
        grid=grid,
        in_specs=[
            pl.BlockSpec((1, _C, _R, _LANES), lambda i, j: (i, 0, j, 0)),
            pl.BlockSpec((1, _R, _LANES), lambda i, j: (i, j, 0)),
        ],
        out_specs=[
            pl.BlockSpec((1, _R, _LANES), lambda i, j: (i, j, 0)),
            pl.BlockSpec((1, _R, _LANES), lambda i, j: (i, j, 0)),
        ],
        out_shape=[
            jax.ShapeDtypeStruct((n, rows, _LANES), jnp.float32),
            jax.ShapeDtypeStruct((n, rows, _LANES), jnp.float32),
        ],
    )(pred4, tgt3)
    n_pix = n * rows * _LANES
    p_bits = lax.bitcast_convert_type(p, jnp.int32).reshape(-1)
    out = _sc_select(n_pix)(p_bits, nll.reshape(-1))
    return out[0]


def kernel(preds, target):
    pred = preds[0]
    n, c, h, w = pred.shape
    rows = h * w // _LANES
    pred4 = pred.reshape(n, c, rows, _LANES)
    tgt3 = target.reshape(n, rows, _LANES)
    grid = (n, rows // _R)
    cnt, ssum = pl.pallas_call(
        _partials_body,
        grid=grid,
        in_specs=[
            pl.BlockSpec((1, _C, _R, _LANES), lambda i, j: (i, 0, j, 0)),
            pl.BlockSpec((1, _R, _LANES), lambda i, j: (i, j, 0)),
        ],
        out_specs=[
            pl.BlockSpec(memory_space=pltpu.SMEM),
            pl.BlockSpec(memory_space=pltpu.SMEM),
        ],
        out_shape=[
            jax.ShapeDtypeStruct((1, 1), jnp.float32),
            jax.ShapeDtypeStruct((1, 1), jnp.float32),
        ],
    )(pred4, tgt3)
    c07 = cnt[0, 0]
    s07 = ssum[0, 0]
    return lax.cond(
        c07 >= jnp.float32(_MIN_KEPT),
        lambda: s07 / c07,
        lambda: _fallback(pred4, tgt3),
    )

# --- scband reference (transcript-rebuilt; emitter-appended) ---
"""Pipeline reference for scband-mix-softmax-cross-entropy-ohemloss-29240137351489 (READ-ONLY COPY).

The authoritative reference and input builder live on the scoring server;
editing this copy changes nothing except your own understanding.
"""

import jax, jax.numpy as jnp
import numpy as np

IGNORE_INDEX = -1
THRESH = 0.7
MIN_KEPT = 100000


def _ohem_ce(pred, target):
    # pred: [n, c, h, w] float; target: [n, h, w] int
    n, c, h, w = pred.shape
    t = target.reshape(-1)
    valid_mask = t != IGNORE_INDEX
    t0 = jnp.where(valid_mask, t, 0)
    # num_valid = 1,048,576 > min_kept for these inputs -> OHEM branch taken
    prob = jax.nn.softmax(pred, axis=1)
    prob = jnp.transpose(prob, (1, 0, 2, 3)).reshape(c, -1)
    prob = jnp.where(valid_mask[None, :], prob, 1.0)  # masked_fill_(~valid_mask, 1)
    idxs = jnp.arange(t.shape[0])
    mask_prob = prob[t0, idxs]
    order = jnp.argsort(mask_prob)
    k = min(order.shape[0], MIN_KEPT) - 1
    thr_val = mask_prob[order[k]]
    threshold = jnp.where(thr_val > THRESH, thr_val, THRESH)
    kept_mask = mask_prob <= threshold
    final_valid = valid_mask & kept_mask
    final_t = jnp.where(final_valid, t0, 0)
    # CrossEntropyLoss(weight=ones(8), ignore_index=-1): weighted mean over kept pixels
    logp = jax.nn.log_softmax(pred, axis=1)
    logp = jnp.transpose(logp, (1, 0, 2, 3)).reshape(c, -1)
    nll = -logp[final_t, idxs]
    weight = jnp.ones((c,), dtype=pred.dtype)
    wvec = weight[final_t] * final_valid.astype(pred.dtype)
    return jnp.sum(nll * wvec) / jnp.sum(wvec)


def setup_inputs(seed: int = 0) -> dict:
    key = jax.random.key(seed)
    k1, k2 = jax.random.split(key)
    preds = jax.random.normal(k1, (1, 4, 8, 512, 512), dtype=jnp.float32)
    target = jax.random.randint(k2, (4, 512, 512), 0, 8).astype(jnp.int32)
    return {"preds": preds, "target": target}


def reference(preds, target):
    # aux=False path of MixSoftmaxCrossEntropyOHEMLoss:
    # preds has leading dim 1 so list(preds) -> [preds[0]] and
    # loss = OhemCrossEntropy2d.forward(preds[0], target)
    return _ohem_ce(preds[0], target)

if __name__ == "__main__":
    import jax
    _d = setup_inputs()
    print(jax.jit(kernel)(*tuple(_d.values())))

</pallas_src>

<mosaic_0001>
#map = affine_map<(d0, d1) -> (0)>
module attributes {stable_mosaic.version = 14 : i64} {
  func.func @sel(%arg0: i32, %arg1: i32, %arg2: memref<1048576xi32, #tpu.memory_space<hbm>>, %arg3: memref<1048576xf32, #tpu.memory_space<hbm>>, %arg4: memref<16xf32, #tpu.memory_space<hbm>>, %arg5: memref<65536xi32, #tpu.memory_space<vmem>>, %arg6: memref<8192xf32, #tpu.memory_space<vmem>>, %arg7: memref<16xf32, #tpu.memory_space<vmem>>, %arg8: memref<256xf32, #tpu.memory_space<vmem>>, %arg9: memref<256xf32, #tpu.memory_space<vmem_shared>>) attributes {dimension_semantics = [#tpu.dimension_semantics<core_parallel>, #tpu.dimension_semantics<subcore_parallel>], iteration_bounds = array<i64: 1, 16>, scalar_prefetch = 0 : i64, scratch_operands = 5 : i64, tpu.core_type = #tpu.core_type<sc_vector_subcore>, window_params = [{transform_indices = #map}, {transform_indices = #map}, {transform_indices = #map}]} {
    %mul3A = arith.constant 65536 : i32
    %mul3A_0 = arith.muli %arg1, %mul3A : i32
    "tpu.region"() ({
      %run_scoped3A = tpu.sem_alloc : memref<!tpu.dma_semaphore, #tpu.memory_space<semaphore_mem>>
      %dma_start3A = tpu.memref_slice %arg2[%mul3A_0] : memref<1048576xi32, #tpu.memory_space<hbm>> -> memref<65536xi32, #tpu.memory_space<hbm>>
      %dma_start3A_150 = tpu.memref_slice %arg2[%mul3A_0] : memref<1048576xi32, #tpu.memory_space<hbm>> -> memref<65536xi32, #tpu.memory_space<hbm>>
      tpu.enqueue_dma source(%dma_start3A_150 : memref<65536xi32, #tpu.memory_space<hbm>>) target(%arg5 : memref<65536xi32, #tpu.memory_space<vmem>>) target_semaphore(%run_scoped3A : memref<!tpu.dma_semaphore, #tpu.memory_space<semaphore_mem>>)
      %dma_wait3A = tpu.memref_slice %arg2[%mul3A_0] : memref<1048576xi32, #tpu.memory_space<hbm>> -> memref<65536xi32, #tpu.memory_space<hbm>>
      %dma_wait3A_151 = tpu.memref_slice %arg2[%mul3A_0] : memref<1048576xi32, #tpu.memory_space<hbm>> -> memref<65536xi32, #tpu.memory_space<hbm>>
      tpu.wait_dma2 semaphore(%run_scoped3A : memref<!tpu.dma_semaphore, #tpu.memory_space<semaphore_mem>>) src(%dma_wait3A_151 : memref<65536xi32, #tpu.memory_space<hbm>>) dst(%arg5 : memref<65536xi32, #tpu.memory_space<vmem>>)
      tpu.yield
    }) : () -> ()
    %broadcast_in_dim3A = arith.constant 1.000000e+00 : f32
    %broadcast_in_dim3A_1 = vector.broadcast %broadcast_in_dim3A : f32 to vector<16xf32>
    %broadcast_in_dim3A_2 = arith.constant 0.000000e+00 : f32
    %broadcast_in_dim3A_3 = vector.broadcast %broadcast_in_dim3A_2 : f32 to vector<16xf32>
    %broadcast_in_dim3A_4 = arith.constant 1.000000e+05 : f32
    %broadcast_in_dim3A_5 = vector.broadcast %broadcast_in_dim3A_4 : f32 to vector<16xf32>
    %broadcast_in_dim3A_6 = arith.constant 1065353216 : i32
    %broadcast_in_dim3A_7 = vector.broadcast %broadcast_in_dim3A_6 : i32 to vector<16xi32>
    %broadcast_in_dim3A_8 = arith.constant 0 : i32
    %broadcast_in_dim3A_9 = vector.broadcast %broadcast_in_dim3A_8 : i32 to vector<16xi32>
    %scan3A = arith.constant 0 : i32
    %scan3A_10 = arith.constant 31 : i32
    %scan3A_11 = arith.addi %scan3A, %scan3A_10 : i32
    %scan3A_12 = arith.constant 1 : i32
    %scan3A_13:2 = scf.for %scan3A_150 = %scan3A to %scan3A_11 step %scan3A_12 iter_args(%scan3A_151 = %broadcast_in_dim3A_9, %scan3A_152 = %broadcast_in_dim3A_7) -> (vector<16xi32>, vector<16xi32>)  : i32 {
      %add3A_153 = arith.addi %scan3A_151, %scan3A_152 : vector<16xi32>
      %shift_right_logical3A = arith.constant 1 : i32
      %shift_right_logical3A_154 = vector.broadcast %shift_right_logical3A : i32 to vector<16xi32>
      %shift_right_logical3A_155 = arith.shrui %add3A_153, %shift_right_logical3A_154 : vector<16xi32>
      %broadcast_in_dim3A_156 = arith.constant 0.000000e+00 : f32
      %broadcast_in_dim3A_157 = vector.broadcast %broadcast_in_dim3A_156 : f32 to vector<16xf32>
      %scan3A_158 = arith.constant 0 : i32
      %scan3A_159 = arith.constant 4096 : i32
      %scan3A_160 = arith.addi %scan3A_158, %scan3A_159 : i32
      %scan3A_161 = arith.constant 1 : i32
      %scan3A_162 = scf.for %scan3A_232 = %scan3A_158 to %scan3A_160 step %scan3A_161 iter_args(%scan3A_233 = %broadcast_in_dim3A_157) -> (vector<16xf32>)  : i32 {
        %mul3A_234 = arith.constant 16 : i32
        %mul3A_235 = arith.muli %scan3A_232, %mul3A_234 : i32
        %get3A = arith.index_cast %mul3A_235 : i32 to index
        %get3A_236 = tpu.vector_load %arg5[%get3A] {strides = array<i32>} : memref<65536xi32, #tpu.memory_space<vmem>>, vector<16xi32>,
        %get3A_237 = vector.shape_cast %get3A_236 : vector<16xi32> to vector<16xi32>
        %le3A = arith.cmpi sle, %get3A_237, %shift_right_logical3A_155 : vector<16xi32>
        %select_n3A_238 = arith.select %le3A, %broadcast_in_dim3A_1, %broadcast_in_dim3A_3 : vector<16xi1>, vector<16xf32>
        %add3A_239 = arith.addf %scan3A_233, %select_n3A_238 : vector<16xf32>
        scf.yield %add3A_239 : vector<16xf32>
      }
      %scan3A_163 = arith.constant 4096 : i32
      %swap3A_164 = arith.constant 0 : index
      %swap3A_165 = tpu.vector_load %arg7[%swap3A_164] {strides = array<i32>} : memref<16xf32, #tpu.memory_space<vmem>>, vector<16xf32>,
      %swap3A_166 = vector.shape_cast %swap3A_165 : vector<16xf32> to vector<16xf32>
      %swap3A_167 = vector.shape_cast %scan3A_162 : vector<16xf32> to vector<16xf32>
      tpu.vector_store %arg7[%swap3A_164], %swap3A_167 {strides = array<i32>} : memref<16xf32, #tpu.memory_space<vmem>>, vector<16xf32>,
      %mul3A_168 = arith.constant 16 : i32
      %mul3A_169 = arith.muli %arg1, %mul3A_168 : i32
      "tpu.region"() ({
        %run_scoped3A = tpu.sem_alloc : memref<!tpu.dma_semaphore, #tpu.memory_space<semaphore_mem>>
        %dma_start3A = tpu.memref_slice %arg9[%mul3A_169] : memref<256xf32, #tpu.memory_space<vmem_shared>> -> memref<16xf32, #tpu.memory_space<vmem_shared>>
        %dma_start3A_232 = tpu.memref_slice %arg9[%mul3A_169] : memref<256xf32, #tpu.memory_space<vmem_shared>> -> memref<16xf32, #tpu.memory_space<vmem_shared>>
        tpu.enqueue_dma source(%arg7 : memref<16xf32, #tpu.memory_space<vmem>>) target(%dma_start3A_232 : memref<16xf32, #tpu.memory_space<vmem_shared>>) target_semaphore(%run_scoped3A : memref<!tpu.dma_semaphore, #tpu.memory_space<semaphore_mem>>)
        %dma_wait3A = tpu.memref_slice %arg9[%mul3A_169] : memref<256xf32, #tpu.memory_space<vmem_shared>> -> memref<16xf32, #tpu.memory_space<vmem_shared>>
        %dma_wait3A_233 = tpu.memref_slice %arg9[%mul3A_169] : memref<256xf32, #tpu.memory_space<vmem_shared>> -> memref<16xf32, #tpu.memory_space<vmem_shared>>
        tpu.wait_dma2 semaphore(%run_scoped3A : memref<!tpu.dma_semaphore, #tpu.memory_space<semaphore_mem>>) src(%arg7 : memref<16xf32, #tpu.memory_space<vmem>>) dst(%dma_wait3A_233 : memref<16xf32, #tpu.memory_space<vmem_shared>>)
        tpu.yield
      }) : () -> ()
      %barrier3A_170 = arith.constant 0 : index
      tpu.barrier barrier_id(%barrier3A_170)
      "tpu.region"() ({
        %run_scoped3A = tpu.sem_alloc : memref<!tpu.dma_semaphore, #tpu.memory_space<semaphore_mem>>
        tpu.enqueue_dma source(%arg9 : memref<256xf32, #tpu.memory_space<vmem_shared>>) target(%arg8 : memref<256xf32, #tpu.memory_space<vmem>>) target_semaphore(%run_scoped3A : memref<!tpu.dma_semaphore, #tpu.memory_space<semaphore_mem>>)
        tpu.wait_dma2 semaphore(%run_scoped3A : memref<!tpu.dma_semaphore, #tpu.memory_space<semaphore_mem>>) src(%arg9 : memref<256xf32, #tpu.memory_space<vmem_shared>>) dst(%arg8 : memref<256xf32, #tpu.memory_space<vmem>>)
        tpu.yield
      }) : () -> ()
      %broadcast_in_dim3A_171 = arith.constant 0.000000e+00 : f32
      %broadcast_in_dim3A_172 = vector.broadcast %broadcast_in_dim3A_171 : f32 to vector<16xf32>
      %scan3A_173 = arith.constant 0 : i32
      %scan3A_174 = arith.constant 16 : i32
      %scan3A_175 = arith.addi %scan3A_173, %scan3A_174 : i32
      %scan3A_176 = arith.constant 1 : i32
      %scan3A_177 = scf.for %scan3A_232 = %scan3A_173 to %scan3A_175 step %scan3A_176 iter_args(%scan3A_233 = %broadcast_in_dim3A_172) -> (vector<16xf32>)  : i32 {
        %mul3A_234 = arith.constant 16 : i32
        %mul3A_235 = arith.muli %scan3A_232, %mul3A_234 : i32
        %get3A = arith.index_cast %mul3A_235 : i32 to index
        %get3A_236 = tpu.vector_load %arg8[%get3A] {strides = array<i32>} : memref<256xf32, #tpu.memory_space<vmem>>, vector<16xf32>,
        %get3A_237 = vector.shape_cast %get3A_236 : vector<16xf32> to vector<16xf32>
        %add3A_238 = arith.addf %scan3A_233, %get3A_237 : vector<16xf32>
        scf.yield %add3A_238 : vector<16xf32>
      }
      %scan3A_178 = arith.constant 16 : i32
      %barrier3A_179 = arith.constant 0 : index
      tpu.barrier barrier_id(%barrier3A_179)
      %slice3A_180 = vector.extract_strided_slice %scan3A_177 {offsets = [0], sizes = [1], strides = [1]} : vector<16xf32> to vector<1xf32>
      %squeeze3A_181 = vector.extract %slice3A_180[0] : f32 from vector<1xf32>
      %slice3A_182 = vector.extract_strided_slice %scan3A_177 {offsets = [1], sizes = [1], strides = [1]} : vector<16xf32> to vector<1xf32>
      %squeeze3A_183 = vector.extract %slice3A_182[0] : f32 from vector<1xf32>
      %add3A_184 = arith.addf %squeeze3A_181, %squeeze3A_183 : f32
      %slice3A_185 = vector.extract_strided_slice %scan3A_177 {offsets = [2], sizes = [1], strides = [1]} : vector<16xf32> to vector<1xf32>
      %squeeze3A_186 = vector.extract %slice3A_185[0] : f32 from vector<1xf32>
      %add3A_187 = arith.addf %add3A_184, %squeeze3A_186 : f32
      %slice3A_188 = vector.extract_strided_slice %scan3A_177 {offsets = [3], sizes = [1], strides = [1]} : vector<16xf32> to vector<1xf32>
      %squeeze3A_189 = vector.extract %slice3A_188[0] : f32 from vector<1xf32>
      %add3A_190 = arith.addf %add3A_187, %squeeze3A_189 : f32
      %slice3A_191 = vector.extract_strided_slice %scan3A_177 {offsets = [4], sizes = [1], strides = [1]} : vector<16xf32> to vector<1xf32>
      %squeeze3A_192 = vector.extract %slice3A_191[0] : f32 from vector<1xf32>
      %add3A_193 = arith.addf %add3A_190, %squeeze3A_192 : f32
      %slice3A_194 = vector.extract_strided_slice %scan3A_177 {offsets = [5], sizes = [1], strides = [1]} : vector<16xf32> to vector<1xf32>
      %squeeze3A_195 = vector.extract %slice3A_194[0] : f32 from vector<1xf32>
      %add3A_196 = arith.addf %add3A_193, %squeeze3A_195 : f32
      %slice3A_197 = vector.extract_strided_slice %scan3A_177 {offsets = [6], sizes = [1], strides = [1]} : vector<16xf32> to vector<1xf32>
      %squeeze3A_198 = vector.extract %slice3A_197[0] : f32 from vector<1xf32>
      %add3A_199 = arith.addf %add3A_196, %squeeze3A_198 : f32
      %slice3A_200 = vector.extract_strided_slice %scan3A_177 {offsets = [7], sizes = [1], strides = [1]} : vector<16xf32> to vector<1xf32>
      %squeeze3A_201 = vector.extract %slice3A_200[0] : f32 from vector<1xf32>
      %add3A_202 = arith.addf %add3A_199, %squeeze3A_201 : f32
      %slice3A_203 = vector.extract_strided_slice %scan3A_177 {offsets = [8], sizes = [1], strides = [1]} : vector<16xf32> to vector<1xf32>
      %squeeze3A_204 = vector.extract %slice3A_203[0] : f32 from vector<1xf32>
      %add3A_205 = arith.addf %add3A_202, %squeeze3A_204 : f32
      %slice3A_206 = vector.extract_strided_slice %scan3A_177 {offsets = [9], sizes = [1], strides = [1]} : vector<16xf32> to vector<1xf32>
      %squeeze3A_207 = vector.extract %slice3A_206[0] : f32 from vector<1xf32>
      %add3A_208 = arith.addf %add3A_205, %squeeze3A_207 : f32
      %slice3A_209 = vector.extract_strided_slice %scan3A_177 {offsets = [10], sizes = [1], strides = [1]} : vector<16xf32> to vector<1xf32>
      %squeeze3A_210 = vector.extract %slice3A_209[0] : f32 from vector<1xf32>
      %add3A_211 = arith.addf %add3A_208, %squeeze3A_210 : f32
      %slice3A_212 = vector.extract_strided_slice %scan3A_177 {offsets = [11], sizes = [1], strides = [1]} : vector<16xf32> to vector<1xf32>
      %squeeze3A_213 = vector.extract %slice3A_212[0] : f32 from vector<1xf32>
      %add3A_214 = arith.addf %add3A_211, %squeeze3A_213 : f32
      %slice3A_215 = vector.extract_strided_slice %scan3A_177 {offsets = [12], sizes = [1], strides = [1]} : vector<16xf32> to vector<1xf32>
      %squeeze3A_216 = vector.extract %slice3A_215[0] : f32 from vector<1xf32>
      %add3A_217 = arith.addf %add3A_214, %squeeze3A_216 : f32
      %slice3A_218 = vector.extract_strided_slice %scan3A_177 {offsets = [13], sizes = [1], strides = [1]} : vector<16xf32> to vector<1xf32>
      %squeeze3A_219 = vector.extract %slice3A_218[0] : f32 from vector<1xf32>
      %add3A_220 = arith.addf %add3A_217, %squeeze3A_219 : f32
      %slice3A_221 = vector.extract_strided_slice %scan3A_177 {offsets = [14], sizes = [1], strides = [1]} : vector<16xf32> to vector<1xf32>
      %squeeze3A_222 = vector.extract %slice3A_221[0] : f32 from vector<1xf32>
      %add3A_223 = arith.addf %add3A_220, %squeeze3A_222 : f32
      %slice3A_224 = vector.extract_strided_slice %scan3A_177 {offsets = [15], sizes = [1], strides = [1]} : vector<16xf32> to vector<1xf32>
      %squeeze3A_225 = vector.extract %slice3A_224[0] : f32 from vector<1xf32>
      %add3A_226 = arith.addf %add3A_223, %squeeze3A_225 : f32
      %broadcast_in_dim3A_227 = vector.broadcast %add3A_226 : f32 to vector<16xf32>
      %ge3A = arith.cmpf oge, %broadcast_in_dim3A_227, %broadcast_in_dim3A_5 : vector<16xf32>
      %add3A_228 = arith.constant 1 : i32
      %add3A_229 = vector.broadcast %add3A_228 : i32 to vector<16xi32>
      %add3A_230 = arith.addi %shift_right_logical3A_155, %add3A_229 : vector<16xi32>
      %select_n3A = arith.select %ge3A, %scan3A_151, %add3A_230 : vector<16xi1>, vector<16xi32>
      %select_n3A_231 = arith.select %ge3A, %shift_right_logical3A_155, %scan3A_152 : vector<16xi1>, vector<16xi32>
      scf.yield %select_n3A, %select_n3A_231 : vector<16xi32>, vector<16xi32>
    }
    %scan3A_14 = arith.constant 31 : i32
    %broadcast_in_dim3A_15 = arith.constant 1060320051 : i32
    %broadcast_in_dim3A_16 = vector.broadcast %broadcast_in_dim3A_15 : i32 to vector<16xi32>
    %max3A = arith.maxsi %scan3A_13#1, %broadcast_in_dim3A_16 : vector<16xi32>
    %broadcast_in_dim3A_17 = arith.constant 0.000000e+00 : f32
    %broadcast_in_dim3A_18 = vector.broadcast %broadcast_in_dim3A_17 : f32 to vector<16xf32>
    %scan3A_19 = arith.constant 0 : i32
    %scan3A_20 = arith.constant 8 : i32
    %scan3A_21 = arith.addi %scan3A_19, %scan3A_20 : i32
    %scan3A_22 = arith.constant 1 : i32
    %scan3A_23:2 = scf.for %scan3A_150 = %scan3A_19 to %scan3A_21 step %scan3A_22 iter_args(%scan3A_151 = %broadcast_in_dim3A_18, %scan3A_152 = %broadcast_in_dim3A_18) -> (vector<16xf32>, vector<16xf32>)  : i32 {
      %mul3A_153 = arith.constant 8192 : i32
      %mul3A_154 = arith.muli %scan3A_150, %mul3A_153 : i32
      %add3A_155 = arith.addi %mul3A_0, %mul3A_154 : i32
      "tpu.region"() ({
        %run_scoped3A = tpu.sem_alloc : memref<!tpu.dma_semaphore, #tpu.memory_space<semaphore_mem>>
        %dma_start3A = tpu.memref_slice %arg3[%add3A_155] : memref<1048576xf32, #tpu.memory_space<hbm>> -> memref<8192xf32, #tpu.memory_space<hbm>>
        %dma_start3A_162 = tpu.memref_slice %arg3[%add3A_155] : memref<1048576xf32, #tpu.memory_space<hbm>> -> memref<8192xf32, #tpu.memory_space<hbm>>
        tpu.enqueue_dma source(%dma_start3A_162 : memref<8192xf32, #tpu.memory_space<hbm>>) target(%arg6 : memref<8192xf32, #tpu.memory_space<vmem>>) target_semaphore(%run_scoped3A : memref<!tpu.dma_semaphore, #tpu.memory_space<semaphore_mem>>)
        %dma_wait3A = tpu.memref_slice %arg3[%add3A_155] : memref<1048576xf32, #tpu.memory_space<hbm>> -> memref<8192xf32, #tpu.memory_space<hbm>>
        %dma_wait3A_163 = tpu.memref_slice %arg3[%add3A_155] : memref<1048576xf32, #tpu.memory_space<hbm>> -> memref<8192xf32, #tpu.memory_space<hbm>>
        tpu.wait_dma2 semaphore(%run_scoped3A : memref<!tpu.dma_semaphore, #tpu.memory_space<semaphore_mem>>) src(%dma_wait3A_163 : memref<8192xf32, #tpu.memory_space<hbm>>) dst(%arg6 : memref<8192xf32, #tpu.memory_space<vmem>>)
        tpu.yield
      }) : () -> ()
      %scan3A_156 = arith.constant 0 : i32
      %scan3A_157 = arith.constant 512 : i32
      %scan3A_158 = arith.addi %scan3A_156, %scan3A_157 : i32
      %scan3A_159 = arith.constant 1 : i32
      %scan3A_160:2 = scf.for %scan3A_162 = %scan3A_156 to %scan3A_158 step %scan3A_159 iter_args(%scan3A_163 = %scan3A_151, %scan3A_164 = %scan3A_152) -> (vector<16xf32>, vector<16xf32>)  : i32 {
        %mul3A_165 = arith.constant 8192 : i32
        %mul3A_166 = arith.muli %scan3A_150, %mul3A_165 : i32
        %mul3A_167 = arith.constant 16 : i32
        %mul3A_168 = arith.muli %scan3A_162, %mul3A_167 : i32
        %add3A_169 = arith.addi %mul3A_166, %mul3A_168 : i32
        %get3A = arith.index_cast %add3A_169 : i32 to index
        %get3A_170 = tpu.vector_load %arg5[%get3A] {strides = array<i32>} : memref<65536xi32, #tpu.memory_space<vmem>>, vector<16xi32>,
        %get3A_171 = vector.shape_cast %get3A_170 : vector<16xi32> to vector<16xi32>
        %mul3A_172 = arith.constant 16 : i32
        %mul3A_173 = arith.muli %scan3A_162, %mul3A_172 : i32
        %get3A_174 = arith.index_cast %mul3A_173 : i32 to index
        %get3A_175 = tpu.vector_load %arg6[%get3A_174] {strides = array<i32>} : memref<8192xf32, #tpu.memory_space<vmem>>, vector<16xf32>,
        %get3A_176 = vector.shape_cast %get3A_175 : vector<16xf32> to vector<16xf32>
        %le3A = arith.cmpi sle, %get3A_171, %max3A : vector<16xi32>
        %select_n3A = arith.select %le3A, %get3A_176, %broadcast_in_dim3A_3 : vector<16xi1>, vector<16xf32>
        %add3A_177 = arith.addf %scan3A_163, %select_n3A : vector<16xf32>
        %select_n3A_178 = arith.select %le3A, %broadcast_in_dim3A_1, %broadcast_in_dim3A_3 : vector<16xi1>, vector<16xf32>
        %add3A_179 = arith.addf %scan3A_164, %select_n3A_178 : vector<16xf32>
        scf.yield %add3A_177, %add3A_179 : vector<16xf32>, vector<16xf32>
      }
      %scan3A_161 = arith.constant 512 : i32
      scf.yield %scan3A_160#0, %scan3A_160#1 : vector<16xf32>, vector<16xf32>
    }
    %scan3A_24 = arith.constant 8 : i32
    %swap3A = arith.constant 0 : index
    %swap3A_25 = tpu.vector_load %arg7[%swap3A] {strides = array<i32>} : memref<16xf32, #tpu.memory_space<vmem>>, vector<16xf32>,
    %swap3A_26 = vector.shape_cast %swap3A_25 : vector<16xf32> to vector<16xf32>
    %swap3A_27 = vector.shape_cast %scan3A_23#0 : vector<16xf32> to vector<16xf32>
    tpu.vector_store %arg7[%swap3A], %swap3A_27 {strides = array<i32>} : memref<16xf32, #tpu.memory_space<vmem>>, vector<16xf32>,
    %mul3A_28 = arith.constant 16 : i32
    %mul3A_29 = arith.muli %arg1, %mul3A_28 : i32
    "tpu.region"() ({
      %run_scoped3A = tpu.sem_alloc : memref<!tpu.dma_semaphore, #tpu.memory_space<semaphore_mem>>
      %dma_start3A = tpu.memref_slice %arg9[%mul3A_29] : memref<256xf32, #tpu.memory_space<vmem_shared>> -> memref<16xf32, #tpu.memory_space<vmem_shared>>
      %dma_start3A_150 = tpu.memref_slice %arg9[%mul3A_29] : memref<256xf32, #tpu.memory_space<vmem_shared>> -> memref<16xf32, #tpu.memory_space<vmem_shared>>
      tpu.enqueue_dma source(%arg7 : memref<16xf32, #tpu.memory_space<vmem>>) target(%dma_start3A_150 : memref<16xf32, #tpu.memory_space<vmem_shared>>) target_semaphore(%run_scoped3A : memref<!tpu.dma_semaphore, #tpu.memory_space<semaphore_mem>>)
      %dma_wait3A = tpu.memref_slice %arg9[%mul3A_29] : memref<256xf32, #tpu.memory_space<vmem_shared>> -> memref<16xf32, #tpu.memory_space<vmem_shared>>
      %dma_wait3A_151 = tpu.memref_slice %arg9[%mul3A_29] : memref<256xf32, #tpu.memory_space<vmem_shared>> -> memref<16xf32, #tpu.memory_space<vmem_shared>>
      tpu.wait_dma2 semaphore(%run_scoped3A : memref<!tpu.dma_semaphore, #tpu.memory_space<semaphore_mem>>) src(%arg7 : memref<16xf32, #tpu.memory_space<vmem>>) dst(%dma_wait3A_151 : memref<16xf32, #tpu.memory_space<vmem_shared>>)
      tpu.yield
    }) : () -> ()
    %barrier3A = arith.constant 0 : index
    tpu.barrier barrier_id(%barrier3A)
    "tpu.region"() ({
      %run_scoped3A = tpu.sem_alloc : memref<!tpu.dma_semaphore, #tpu.memory_space<semaphore_mem>>
      tpu.enqueue_dma source(%arg9 : memref<256xf32, #tpu.memory_space<vmem_shared>>) target(%arg8 : memref<256xf32, #tpu.memory_space<vmem>>) target_semaphore(%run_scoped3A : memref<!tpu.dma_semaphore, #tpu.memory_space<semaphore_mem>>)
      tpu.wait_dma2 semaphore(%run_scoped3A : memref<!tpu.dma_semaphore, #tpu.memory_space<semaphore_mem>>) src(%arg9 : memref<256xf32, #tpu.memory_space<vmem_shared>>) dst(%arg8 : memref<256xf32, #tpu.memory_space<vmem>>)
      tpu.yield
    }) : () -> ()
    %broadcast_in_dim3A_30 = arith.constant 0.000000e+00 : f32
    %broadcast_in_dim3A_31 = vector.broadcast %broadcast_in_dim3A_30 : f32 to vector<16xf32>
    %scan3A_32 = arith.constant 0 : i32
    %scan3A_33 = arith.constant 16 : i32
    %scan3A_34 = arith.addi %scan3A_32, %scan3A_33 : i32
    %scan3A_35 = arith.constant 1 : i32
    %scan3A_36 = scf.for %scan3A_150 = %scan3A_32 to %scan3A_34 step %scan3A_35 iter_args(%scan3A_151 = %broadcast_in_dim3A_31) -> (vector<16xf32>)  : i32 {
      %mul3A_152 = arith.constant 16 : i32
      %mul3A_153 = arith.muli %scan3A_150, %mul3A_152 : i32
      %get3A = arith.index_cast %mul3A_153 : i32 to index
      %get3A_154 = tpu.vector_load %arg8[%get3A] {strides = array<i32>} : memref<256xf32, #tpu.memory_space<vmem>>, vector<16xf32>,
      %get3A_155 = vector.shape_cast %get3A_154 : vector<16xf32> to vector<16xf32>
      %add3A_156 = arith.addf %scan3A_151, %get3A_155 : vector<16xf32>
      scf.yield %add3A_156 : vector<16xf32>
    }
    %scan3A_37 = arith.constant 16 : i32
    %barrier3A_38 = arith.constant 0 : index
    tpu.barrier barrier_id(%barrier3A_38)
    %slice3A = vector.extract_strided_slice %scan3A_36 {offsets = [0], sizes = [1], strides = [1]} : vector<16xf32> to vector<1xf32>
    %squeeze3A = vector.extract %slice3A[0] : f32 from vector<1xf32>
    %slice3A_39 = vector.extract_strided_slice %scan3A_36 {offsets = [1], sizes = [1], strides = [1]} : vector<16xf32> to vector<1xf32>
    %squeeze3A_40 = vector.extract %slice3A_39[0] : f32 from vector<1xf32>
    %add3A = arith.addf %squeeze3A, %squeeze3A_40 : f32
    %slice3A_41 = vector.extract_strided_slice %scan3A_36 {offsets = [2], sizes = [1], strides = [1]} : vector<16xf32> to vector<1xf32>
    %squeeze3A_42 = vector.extract %slice3A_41[0] : f32 from vector<1xf32>
    %add3A_43 = arith.addf %add3A, %squeeze3A_42 : f32
    %slice3A_44 = vector.extract_strided_slice %scan3A_36 {offsets = [3], sizes = [1], strides = [1]} : vector<16xf32> to vector<1xf32>
    %squeeze3A_45 = vector.extract %slice3A_44[0] : f32 from vector<1xf32>
    %add3A_46 = arith.addf %add3A_43, %squeeze3A_45 : f32
    %slice3A_47 = vector.extract_strided_slice %scan3A_36 {offsets = [4], sizes = [1], strides = [1]} : vector<16xf32> to vector<1xf32>
    %squeeze3A_48 = vector.extract %slice3A_47[0] : f32 from vector<1xf32>
    %add3A_49 = arith.addf %add3A_46, %squeeze3A_48 : f32
    %slice3A_50 = vector.extract_strided_slice %scan3A_36 {offsets = [5], sizes = [1], strides = [1]} : vector<16xf32> to vector<1xf32>
    %squeeze3A_51 = vector.extract %slice3A_50[0] : f32 from vector<1xf32>
    %add3A_52 = arith.addf %add3A_49, %squeeze3A_51 : f32
    %slice3A_53 = vector.extract_strided_slice %scan3A_36 {offsets = [6], sizes = [1], strides = [1]} : vector<16xf32> to vector<1xf32>
    %squeeze3A_54 = vector.extract %slice3A_53[0] : f32 from vector<1xf32>
    %add3A_55 = arith.addf %add3A_52, %squeeze3A_54 : f32
    %slice3A_56 = vector.extract_strided_slice %scan3A_36 {offsets = [7], sizes = [1], strides = [1]} : vector<16xf32> to vector<1xf32>
    %squeeze3A_57 = vector.extract %slice3A_56[0] : f32 from vector<1xf32>
    %add3A_58 = arith.addf %add3A_55, %squeeze3A_57 : f32
    %slice3A_59 = vector.extract_strided_slice %scan3A_36 {offsets = [8], sizes = [1], strides = [1]} : vector<16xf32> to vector<1xf32>
    %squeeze3A_60 = vector.extract %slice3A_59[0] : f32 from vector<1xf32>
    %add3A_61 = arith.addf %add3A_58, %squeeze3A_60 : f32
    %slice3A_62 = vector.extract_strided_slice %scan3A_36 {offsets = [9], sizes = [1], strides = [1]} : vector<16xf32> to vector<1xf32>
    %squeeze3A_63 = vector.extract %slice3A_62[0] : f32 from vector<1xf32>
    %add3A_64 = arith.addf %add3A_61, %squeeze3A_63 : f32
    %slice3A_65 = vector.extract_strided_slice %scan3A_36 {offsets = [10], sizes = [1], strides = [1]} : vector<16xf32> to vector<1xf32>
    %squeeze3A_66 = vector.extract %slice3A_65[0] : f32 from vector<1xf32>
    %add3A_67 = arith.addf %add3A_64, %squeeze3A_66 : f32
    %slice3A_68 = vector.extract_strided_slice %scan3A_36 {offsets = [11], sizes = [1], strides = [1]} : vector<16xf32> to vector<1xf32>
    %squeeze3A_69 = vector.extract %slice3A_68[0] : f32 from vector<1xf32>
    %add3A_70 = arith.addf %add3A_67, %squeeze3A_69 : f32
    %slice3A_71 = vector.extract_strided_slice %scan3A_36 {offsets = [12], sizes = [1], strides = [1]} : vector<16xf32> to vector<1xf32>
    %squeeze3A_72 = vector.extract %slice3A_71[0] : f32 from vector<1xf32>
    %add3A_73 = arith.addf %add3A_70, %squeeze3A_72 : f32
    %slice3A_74 = vector.extract_strided_slice %scan3A_36 {offsets = [13], sizes = [1], strides = [1]} : vector<16xf32> to vector<1xf32>
    %squeeze3A_75 = vector.extract %slice3A_74[0] : f32 from vector<1xf32>
    %add3A_76 = arith.addf %add3A_73, %squeeze3A_75 : f32
    %slice3A_77 = vector.extract_strided_slice %scan3A_36 {offsets = [14], sizes = [1], strides = [1]} : vector<16xf32> to vector<1xf32>
    %squeeze3A_78 = vector.extract %slice3A_77[0] : f32 from vector<1xf32>
    %add3A_79 = arith.addf %add3A_76, %squeeze3A_78 : f32
    %slice3A_80 = vector.extract_strided_slice %scan3A_36 {offsets = [15], sizes = [1], strides = [1]} : vector<16xf32> to vector<1xf32>
    %squeeze3A_81 = vector.extract %slice3A_80[0] : f32 from vector<1xf32>
    %add3A_82 = arith.addf %add3A_79, %squeeze3A_81 : f32
    %broadcast_in_dim3A_83 = vector.broadcast %add3A_82 : f32 to vector<16xf32>
    %swap3A_84 = arith.constant 0 : index
    %swap3A_85 = tpu.vector_load %arg7[%swap3A_84] {strides = array<i32>} : memref<16xf32, #tpu.memory_space<vmem>>, vector<16xf32>,
    %swap3A_86 = vector.shape_cast %swap3A_85 : vector<16xf32> to vector<16xf32>
    %swap3A_87 = vector.shape_cast %scan3A_23#1 : vector<16xf32> to vector<16xf32>
    tpu.vector_store %arg7[%swap3A_84], %swap3A_87 {strides = array<i32>} : memref<16xf32, #tpu.memory_space<vmem>>, vector<16xf32>,
    %mul3A_88 = arith.constant 16 : i32
    %mul3A_89 = arith.muli %arg1, %mul3A_88 : i32
    "tpu.region"() ({
      %run_scoped3A = tpu.sem_alloc : memref<!tpu.dma_semaphore, #tpu.memory_space<semaphore_mem>>
      %dma_start3A = tpu.memref_slice %arg9[%mul3A_89] : memref<256xf32, #tpu.memory_space<vmem_shared>> -> memref<16xf32, #tpu.memory_space<vmem_shared>>
      %dma_start3A_150 = tpu.memref_slice %arg9[%mul3A_89] : memref<256xf32, #tpu.memory_space<vmem_shared>> -> memref<16xf32, #tpu.memory_space<vmem_shared>>
      tpu.enqueue_dma source(%arg7 : memref<16xf32, #tpu.memory_space<vmem>>) target(%dma_start3A_150 : memref<16xf32, #tpu.memory_space<vmem_shared>>) target_semaphore(%run_scoped3A : memref<!tpu.dma_semaphore, #tpu.memory_space<semaphore_mem>>)
      %dma_wait3A = tpu.memref_slice %arg9[%mul3A_89] : memref<256xf32, #tpu.memory_space<vmem_shared>> -> memref<16xf32, #tpu.memory_space<vmem_shared>>
      %dma_wait3A_151 = tpu.memref_slice %arg9[%mul3A_89] : memref<256xf32, #tpu.memory_space<vmem_shared>> -> memref<16xf32, #tpu.memory_space<vmem_shared>>
      tpu.wait_dma2 semaphore(%run_scoped3A : memref<!tpu.dma_semaphore, #tpu.memory_space<semaphore_mem>>) src(%arg7 : memref<16xf32, #tpu.memory_space<vmem>>) dst(%dma_wait3A_151 : memref<16xf32, #tpu.memory_space<vmem_shared>>)
      tpu.yield
    }) : () -> ()
    %barrier3A_90 = arith.constant 0 : index
    tpu.barrier barrier_id(%barrier3A_90)
    "tpu.region"() ({
      %run_scoped3A = tpu.sem_alloc : memref<!tpu.dma_semaphore, #tpu.memory_space<semaphore_mem>>
      tpu.enqueue_dma source(%arg9 : memref<256xf32, #tpu.memory_space<vmem_shared>>) target(%arg8 : memref<256xf32, #tpu.memory_space<vmem>>) target_semaphore(%run_scoped3A : memref<!tpu.dma_semaphore, #tpu.memory_space<semaphore_mem>>)
      tpu.wait_dma2 semaphore(%run_scoped3A : memref<!tpu.dma_semaphore, #tpu.memory_space<semaphore_mem>>) src(%arg9 : memref<256xf32, #tpu.memory_space<vmem_shared>>) dst(%arg8 : memref<256xf32, #tpu.memory_space<vmem>>)
      tpu.yield
    }) : () -> ()
    %broadcast_in_dim3A_91 = arith.constant 0.000000e+00 : f32
    %broadcast_in_dim3A_92 = vector.broadcast %broadcast_in_dim3A_91 : f32 to vector<16xf32>
    %scan3A_93 = arith.constant 0 : i32
    %scan3A_94 = arith.constant 16 : i32
    %scan3A_95 = arith.addi %scan3A_93, %scan3A_94 : i32
    %scan3A_96 = arith.constant 1 : i32
    %scan3A_97 = scf.for %scan3A_150 = %scan3A_93 to %scan3A_95 step %scan3A_96 iter_args(%scan3A_151 = %broadcast_in_dim3A_92) -> (vector<16xf32>)  : i32 {
      %mul3A_152 = arith.constant 16 : i32
      %mul3A_153 = arith.muli %scan3A_150, %mul3A_152 : i32
      %get3A = arith.index_cast %mul3A_153 : i32 to index
      %get3A_154 = tpu.vector_load %arg8[%get3A] {strides = array<i32>} : memref<256xf32, #tpu.memory_space<vmem>>, vector<16xf32>,
      %get3A_155 = vector.shape_cast %get3A_154 : vector<16xf32> to vector<16xf32>
      %add3A_156 = arith.addf %scan3A_151, %get3A_155 : vector<16xf32>
      scf.yield %add3A_156 : vector<16xf32>
    }
    %scan3A_98 = arith.constant 16 : i32
    %barrier3A_99 = arith.constant 0 : index
    tpu.barrier barrier_id(%barrier3A_99)
    %slice3A_100 = vector.extract_strided_slice %scan3A_97 {offsets = [0], sizes = [1], strides = [1]} : vector<16xf32> to vector<1xf32>
    %squeeze3A_101 = vector.extract %slice3A_100[0] : f32 from vector<1xf32>
    %slice3A_102 = vector.extract_strided_slice %scan3A_97 {offsets = [1], sizes = [1], strides = [1]} : vector<16xf32> to vector<1xf32>
    %squeeze3A_103 = vector.extract %slice3A_102[0] : f32 from vector<1xf32>
    %add3A_104 = arith.addf %squeeze3A_101, %squeeze3A_103 : f32
    %slice3A_105 = vector.extract_strided_slice %scan3A_97 {offsets = [2], sizes = [1], strides = [1]} : vector<16xf32> to vector<1xf32>
    %squeeze3A_106 = vector.extract %slice3A_105[0] : f32 from vector<1xf32>
    %add3A_107 = arith.addf %add3A_104, %squeeze3A_106 : f32
    %slice3A_108 = vector.extract_strided_slice %scan3A_97 {offsets = [3], sizes = [1], strides = [1]} : vector<16xf32> to vector<1xf32>
    %squeeze3A_109 = vector.extract %slice3A_108[0] : f32 from vector<1xf32>
    %add3A_110 = arith.addf %add3A_107, %squeeze3A_109 : f32
    %slice3A_111 = vector.extract_strided_slice %scan3A_97 {offsets = [4], sizes = [1], strides = [1]} : vector<16xf32> to vector<1xf32>
    %squeeze3A_112 = vector.extract %slice3A_111[0] : f32 from vector<1xf32>
    %add3A_113 = arith.addf %add3A_110, %squeeze3A_112 : f32
    %slice3A_114 = vector.extract_strided_slice %scan3A_97 {offsets = [5], sizes = [1], strides = [1]} : vector<16xf32> to vector<1xf32>
    %squeeze3A_115 = vector.extract %slice3A_114[0] : f32 from vector<1xf32>
    %add3A_116 = arith.addf %add3A_113, %squeeze3A_115 : f32
    %slice3A_117 = vector.extract_strided_slice %scan3A_97 {offsets = [6], sizes = [1], strides = [1]} : vector<16xf32> to vector<1xf32>
    %squeeze3A_118 = vector.extract %slice3A_117[0] : f32 from vector<1xf32>
    %add3A_119 = arith.addf %add3A_116, %squeeze3A_118 : f32
    %slice3A_120 = vector.extract_strided_slice %scan3A_97 {offsets = [7], sizes = [1], strides = [1]} : vector<16xf32> to vector<1xf32>
    %squeeze3A_121 = vector.extract %slice3A_120[0] : f32 from vector<1xf32>
    %add3A_122 = arith.addf %add3A_119, %squeeze3A_121 : f32
    %slice3A_123 = vector.extract_strided_slice %scan3A_97 {offsets = [8], sizes = [1], strides = [1]} : vector<16xf32> to vector<1xf32>
    %squeeze3A_124 = vector.extract %slice3A_123[0] : f32 from vector<1xf32>
    %add3A_125 = arith.addf %add3A_122, %squeeze3A_124 : f32
    %slice3A_126 = vector.extract_strided_slice %scan3A_97 {offsets = [9], sizes = [1], strides = [1]} : vector<16xf32> to vector<1xf32>
    %squeeze3A_127 = vector.extract %slice3A_126[0] : f32 from vector<1xf32>
    %add3A_128 = arith.addf %add3A_125, %squeeze3A_127 : f32
    %slice3A_129 = vector.extract_strided_slice %scan3A_97 {offsets = [10], sizes = [1], strides = [1]} : vector<16xf32> to vector<1xf32>
    %squeeze3A_130 = vector.extract %slice3A_129[0] : f32 from vector<1xf32>
    %add3A_131 = arith.addf %add3A_128, %squeeze3A_130 : f32
    %slice3A_132 = vector.extract_strided_slice %scan3A_97 {offsets = [11], sizes = [1], strides = [1]} : vector<16xf32> to vector<1xf32>
    %squeeze3A_133 = vector.extract %slice3A_132[0] : f32 from vector<1xf32>
    %add3A_134 = arith.addf %add3A_131, %squeeze3A_133 : f32
    %slice3A_135 = vector.extract_strided_slice %scan3A_97 {offsets = [12], sizes = [1], strides = [1]} : vector<16xf32> to vector<1xf32>
    %squeeze3A_136 = vector.extract %slice3A_135[0] : f32 from vector<1xf32>
    %add3A_137 = arith.addf %add3A_134, %squeeze3A_136 : f32
    %slice3A_138 = vector.extract_strided_slice %scan3A_97 {offsets = [13], sizes = [1], strides = [1]} : vector<16xf32> to vector<1xf32>
    %squeeze3A_139 = vector.extract %slice3A_138[0] : f32 from vector<1xf32>
    %add3A_140 = arith.addf %add3A_137, %squeeze3A_139 : f32
    %slice3A_141 = vector.extract_strided_slice %scan3A_97 {offsets = [14], sizes = [1], strides = [1]} : vector<16xf32> to vector<1xf32>
    %squeeze3A_142 = vector.extract %slice3A_141[0] : f32 from vector<1xf32>
    %add3A_143 = arith.addf %add3A_140, %squeeze3A_142 : f32
    %slice3A_144 = vector.extract_strided_slice %scan3A_97 {offsets = [15], sizes = [1], strides = [1]} : vector<16xf32> to vector<1xf32>
    %squeeze3A_145 = vector.extract %slice3A_144[0] : f32 from vector<1xf32>
    %add3A_146 = arith.addf %add3A_143, %squeeze3A_145 : f32
    %broadcast_in_dim3A_147 = vector.broadcast %add3A_146 : f32 to vector<16xf32>
    %div3A = arith.divf %broadcast_in_dim3A_83, %broadcast_in_dim3A_147 : vector<16xf32>
    %eq3A = arith.constant 0 : i32
    %eq3A_148 = arith.cmpi eq, %arg1, %eq3A : i32
    %convert_element_type3A = arith.extui %eq3A_148 : i1 to i32
    %cond3A = arith.constant 0 : i32
    %cond3A_149 = arith.cmpi ne, %convert_element_type3A, %cond3A : i32
    scf.if %cond3A_149 {
      %swap3A_150 = arith.constant 0 : index
      %swap3A_151 = tpu.vector_load %arg7[%swap3A_150] {strides = array<i32>} : memref<16xf32, #tpu.memory_space<vmem>>, vector<16xf32>,
      %swap3A_152 = vector.shape_cast %swap3A_151 : vector<16xf32> to vector<16xf32>
      %swap3A_153 = vector.shape_cast %div3A : vector<16xf32> to vector<16xf32>
      tpu.vector_store %arg7[%swap3A_150], %swap3A_153 {strides = array<i32>} : memref<16xf32, #tpu.memory_space<vmem>>, vector<16xf32>,
      "tpu.region"() ({
        %run_scoped3A = tpu.sem_alloc : memref<!tpu.dma_semaphore, #tpu.memory_space<semaphore_mem>>
        tpu.enqueue_dma source(%arg7 : memref<16xf32, #tpu.memory_space<vmem>>) target(%arg4 : memref<16xf32, #tpu.memory_space<hbm>>) target_semaphore(%run_scoped3A : memref<!tpu.dma_semaphore, #tpu.memory_space<semaphore_mem>>)
        tpu.wait_dma2 semaphore(%run_scoped3A : memref<!tpu.dma_semaphore, #tpu.memory_space<semaphore_mem>>) src(%arg7 : memref<16xf32, #tpu.memory_space<vmem>>) dst(%arg4 : memref<16xf32, #tpu.memory_space<hbm>>)
        tpu.yield
      }) : () -> ()
    } else {
    }
    return
  }
}

module attributes {stable_mosaic.version = 14 : i64} {
  func.func @_pnll_body(%arg0: i32, %arg1: i32, %arg2: memref<1x8x1024x128xf32, #tpu.memory_space<vmem>>, %arg3: memref<1x1024x128xi32, #tpu.memory_space<vmem>>, %arg4: memref<1x1024x128xf32, #tpu.memory_space<vmem>>, %arg5: memref<1x1024x128xf32, #tpu.memory_space<vmem>>) attributes {dimension_semantics = [#tpu.dimension_semantics<arbitrary>, #tpu.dimension_semantics<arbitrary>], iteration_bounds = array<i64: 4, 2>, scalar_prefetch = 0 : i64, scratch_operands = 0 : i64, tpu.core_type = #tpu.core_type<tc>, window_params = [{transform_indices = @transform_0, window_bounds = array<i64: 1, 8, 1024, 128>}, {transform_indices = @transform_1, window_bounds = array<i64: 1, 1024, 128>}, {transform_indices = @transform_2, window_bounds = array<i64: 1, 1024, 128>}, {transform_indices = @transform_3, window_bounds = array<i64: 1, 1024, 128>}]} {
    %get3A = arith.constant 0 : index
    %get3A_0 = arith.constant 0 : index
    %get3A_1 = arith.constant 0 : index
    %get3A_2 = arith.constant 0 : index
    %get3A_3 = vector.load %arg2[%get3A, %get3A_0, %get3A_1, %get3A_2] : memref<1x8x1024x128xf32, #tpu.memory_space<vmem>>, vector<1x8x1024x128xf32>
    %get3A_4 = vector.shape_cast %get3A_3 : vector<1x8x1024x128xf32> to vector<8x1024x128xf32>
    %get3A_5 = arith.constant 0 : index
    %get3A_6 = arith.constant 0 : index
    %get3A_7 = arith.constant 0 : index
    %get3A_8 = vector.load %arg3[%get3A_5, %get3A_6, %get3A_7] : memref<1x1024x128xi32, #tpu.memory_space<vmem>>, vector<1x1024x128xi32>
    %get3A_9 = vector.shape_cast %get3A_8 : vector<1x1024x128xi32> to vector<1024x128xi32>
    %exp3A = math.exp %get3A_4 : vector<8x1024x128xf32>
    %reduce_sum3A = arith.constant dense<0.000000e+00> : vector<1024x128xf32>
    %reduce_sum3A_10 = vector.multi_reduction <add>, %exp3A, %reduce_sum3A [0] : vector<8x1024x128xf32> to vector<1024x128xf32>
    %broadcast_in_dim3A = arith.constant 0.000000e+00 : f32
    %broadcast_in_dim3A_11 = vector.broadcast %broadcast_in_dim3A : f32 to vector<1024x128xf32>
    %broadcast_in_dim3A_12 = arith.constant 0.000000e+00 : f32
    %broadcast_in_dim3A_13 = vector.broadcast %broadcast_in_dim3A_12 : f32 to vector<1024x128xf32>
    %eq3A = arith.constant 0 : i32
    %eq3A_14 = vector.broadcast %eq3A : i32 to vector<1024x128xi32>
    %eq3A_15 = arith.cmpi eq, %get3A_9, %eq3A_14 : vector<1024x128xi32>
    %slice3A = vector.extract_strided_slice %exp3A {offsets = [0, 0, 0], sizes = [1, 1024, 128], strides = [1, 1, 1]} : vector<8x1024x128xf32> to vector<1x1024x128xf32>
    %squeeze3A = vector.shape_cast %slice3A : vector<1x1024x128xf32> to vector<1024x128xf32>
    %select_n3A = arith.select %eq3A_15, %squeeze3A, %broadcast_in_dim3A_11 : vector<1024x128xi1>, vector<1024x128xf32>
    %slice3A_16 = vector.extract_strided_slice %get3A_4 {offsets = [0, 0, 0], sizes = [1, 1024, 128], strides = [1, 1, 1]} : vector<8x1024x128xf32> to vector<1x1024x128xf32>
    %squeeze3A_17 = vector.shape_cast %slice3A_16 : vector<1x1024x128xf32> to vector<1024x128xf32>
    %select_n3A_18 = arith.select %eq3A_15, %squeeze3A_17, %broadcast_in_dim3A_13 : vector<1024x128xi1>, vector<1024x128xf32>
    %eq3A_19 = arith.constant 1 : i32
    %eq3A_20 = vector.broadcast %eq3A_19 : i32 to vector<1024x128xi32>
    %eq3A_21 = arith.cmpi eq, %get3A_9, %eq3A_20 : vector<1024x128xi32>
    %slice3A_22 = vector.extract_strided_slice %exp3A {offsets = [1, 0, 0], sizes = [1, 1024, 128], strides = [1, 1, 1]} : vector<8x1024x128xf32> to vector<1x1024x128xf32>
    %squeeze3A_23 = vector.shape_cast %slice3A_22 : vector<1x1024x128xf32> to vector<1024x128xf32>
    %select_n3A_24 = arith.select %eq3A_21, %squeeze3A_23, %select_n3A : vector<1024x128xi1>, vector<1024x128xf32>
    %slice3A_25 = vector.extract_strided_slice %get3A_4 {offsets = [1, 0, 0], sizes = [1, 1024, 128], strides = [1, 1, 1]} : vector<8x1024x128xf32> to vector<1x1024x128xf32>
    %squeeze3A_26 = vector.shape_cast %slice3A_25 : vector<1x1024x128xf32> to vector<1024x128xf32>
    %select_n3A_27 = arith.select %eq3A_21, %squeeze3A_26, %select_n3A_18 : vector<1024x128xi1>, vector<1024x128xf32>
    %eq3A_28 = arith.constant 2 : i32
    %eq3A_29 = vector.broadcast %eq3A_28 : i32 to vector<1024x128xi32>
    %eq3A_30 = arith.cmpi eq, %get3A_9, %eq3A_29 : vector<1024x128xi32>
    %slice3A_31 = vector.extract_strided_slice %exp3A {offsets = [2, 0, 0], sizes = [1, 1024, 128], strides = [1, 1, 1]} : vector<8x1024x128xf32> to vector<1x1024x128xf32>
    %squeeze3A_32 = vector.shape_cast %slice3A_31 : vector<1x1024x128xf32> to vector<1024x128xf32>
    %select_n3A_33 = arith.select %eq3A_30, %squeeze3A_32, %select_n3A_24 : vector<1024x128xi1>, vector<1024x128xf32>
    %slice3A_34 = vector.extract_strided_slice %get3A_4 {offsets = [2, 0, 0], sizes = [1, 1024, 128], strides = [1, 1, 1]} : vector<8x1024x128xf32> to vector<1x1024x128xf32>
    %squeeze3A_35 = vector.shape_cast %slice3A_34 : vector<1x1024x128xf32> to vector<1024x128xf32>
    %select_n3A_36 = arith.select %eq3A_30, %squeeze3A_35, %select_n3A_27 : vector<1024x128xi1>, vector<1024x128xf32>
    %eq3A_37 = arith.constant 3 : i32
    %eq3A_38 = vector.broadcast %eq3A_37 : i32 to vector<1024x128xi32>
    %eq3A_39 = arith.cmpi eq, %get3A_9, %eq3A_38 : vector<1024x128xi32>
    %slice3A_40 = vector.extract_strided_slice %exp3A {offsets = [3, 0, 0], sizes = [1, 1024, 128], strides = [1, 1, 1]} : vector<8x1024x128xf32> to vector<1x1024x128xf32>
    %squeeze3A_41 = vector.shape_cast %slice3A_40 : vector<1x1024x128xf32> to vector<1024x128xf32>
    %select_n3A_42 = arith.select %eq3A_39, %squeeze3A_41, %select_n3A_33 : vector<1024x128xi1>, vector<1024x128xf32>
    %slice3A_43 = vector.extract_strided_slice %get3A_4 {offsets = [3, 0, 0], sizes = [1, 1024, 128], strides = [1, 1, 1]} : vector<8x1024x128xf32> to vector<1x1024x128xf32>
    %squeeze3A_44 = vector.shape_cast %slice3A_43 : vector<1x1024x128xf32> to vector<1024x128xf32>
    %select_n3A_45 = arith.select %eq3A_39, %squeeze3A_44, %select_n3A_36 : vector<1024x128xi1>, vector<1024x128xf32>
    %eq3A_46 = arith.constant 4 : i32
    %eq3A_47 = vector.broadcast %eq3A_46 : i32 to vector<1024x128xi32>
    %eq3A_48 = arith.cmpi eq, %get3A_9, %eq3A_47 : vector<1024x128xi32>
    %slice3A_49 = vector.extract_strided_slice %exp3A {offsets = [4, 0, 0], sizes = [1, 1024, 128], strides = [1, 1, 1]} : vector<8x1024x128xf32> to vector<1x1024x128xf32>
    %squeeze3A_50 = vector.shape_cast %slice3A_49 : vector<1x1024x128xf32> to vector<1024x128xf32>
    %select_n3A_51 = arith.select %eq3A_48, %squeeze3A_50, %select_n3A_42 : vector<1024x128xi1>, vector<1024x128xf32>
    %slice3A_52 = vector.extract_strided_slice %get3A_4 {offsets = [4, 0, 0], sizes = [1, 1024, 128], strides = [1, 1, 1]} : vector<8x1024x128xf32> to vector<1x1024x128xf32>
    %squeeze3A_53 = vector.shape_cast %slice3A_52 : vector<1x1024x128xf32> to vector<1024x128xf32>
    %select_n3A_54 = arith.select %eq3A_48, %squeeze3A_53, %select_n3A_45 : vector<1024x128xi1>, vector<1024x128xf32>
    %eq3A_55 = arith.constant 5 : i32
    %eq3A_56 = vector.broadcast %eq3A_55 : i32 to vector<1024x128xi32>
    %eq3A_57 = arith.cmpi eq, %get3A_9, %eq3A_56 : vector<1024x128xi32>
    %slice3A_58 = vector.extract_strided_slice %exp3A {offsets = [5, 0, 0], sizes = [1, 1024, 128], strides = [1, 1, 1]} : vector<8x1024x128xf32> to vector<1x1024x128xf32>
    %squeeze3A_59 = vector.shape_cast %slice3A_58 : vector<1x1024x128xf32> to vector<1024x128xf32>
    %select_n3A_60 = arith.select %eq3A_57, %squeeze3A_59, %select_n3A_51 : vector<1024x128xi1>, vector<1024x128xf32>
    %slice3A_61 = vector.extract_strided_slice %get3A_4 {offsets = [5, 0, 0], sizes = [1, 1024, 128], strides = [1, 1, 1]} : vector<8x1024x128xf32> to vector<1x1024x128xf32>
    %squeeze3A_62 = vector.shape_cast %slice3A_61 : vector<1x1024x128xf32> to vector<1024x128xf32>
    %select_n3A_63 = arith.select %eq3A_57, %squeeze3A_62, %select_n3A_54 : vector<1024x128xi1>, vector<1024x128xf32>
    %eq3A_64 = arith.constant 6 : i32
    %eq3A_65 = vector.broadcast %eq3A_64 : i32 to vector<1024x128xi32>
    %eq3A_66 = arith.cmpi eq, %get3A_9, %eq3A_65 : vector<1024x128xi32>
    %slice3A_67 = vector.extract_strided_slice %exp3A {offsets = [6, 0, 0], sizes = [1, 1024, 128], strides = [1, 1, 1]} : vector<8x1024x128xf32> to vector<1x1024x128xf32>
    %squeeze3A_68 = vector.shape_cast %slice3A_67 : vector<1x1024x128xf32> to vector<1024x128xf32>
    %select_n3A_69 = arith.select %eq3A_66, %squeeze3A_68, %select_n3A_60 : vector<1024x128xi1>, vector<1024x128xf32>
    %slice3A_70 = vector.extract_strided_slice %get3A_4 {offsets = [6, 0, 0], sizes = [1, 1024, 128], strides = [1, 1, 1]} : vector<8x1024x128xf32> to vector<1x1024x128xf32>
    %squeeze3A_71 = vector.shape_cast %slice3A_70 : vector<1x1024x128xf32> to vector<1024x128xf32>
    %select_n3A_72 = arith.select %eq3A_66, %squeeze3A_71, %select_n3A_63 : vector<1024x128xi1>, vector<1024x128xf32>
    %eq3A_73 = arith.constant 7 : i32
    %eq3A_74 = vector.broadcast %eq3A_73 : i32 to vector<1024x128xi32>
    %eq3A_75 = arith.cmpi eq, %get3A_9, %eq3A_74 : vector<1024x128xi32>
    %slice3A_76 = vector.extract_strided_slice %exp3A {offsets = [7, 0, 0], sizes = [1, 1024, 128], strides = [1, 1, 1]} : vector<8x1024x128xf32> to vector<1x1024x128xf32>
    %squeeze3A_77 = vector.shape_cast %slice3A_76 : vector<1x1024x128xf32> to vector<1024x128xf32>
    %select_n3A_78 = arith.select %eq3A_75, %squeeze3A_77, %select_n3A_69 : vector<1024x128xi1>, vector<1024x128xf32>
    %slice3A_79 = vector.extract_strided_slice %get3A_4 {offsets = [7, 0, 0], sizes = [1, 1024, 128], strides = [1, 1, 1]} : vector<8x1024x128xf32> to vector<1x1024x128xf32>
    %squeeze3A_80 = vector.shape_cast %slice3A_79 : vector<1x1024x128xf32> to vector<1024x128xf32>
    %select_n3A_81 = arith.select %eq3A_75, %squeeze3A_80, %select_n3A_72 : vector<1024x128xi1>, vector<1024x128xf32>
    %div3A = arith.divf %select_n3A_78, %reduce_sum3A_10 : vector<1024x128xf32>
    %log3A = math.log %reduce_sum3A_10 : vector<1024x128xf32>
    %sub3A = arith.subf %log3A, %select_n3A_81 : vector<1024x128xf32>
    %swap3A = arith.constant 0 : index
    %swap3A_82 = arith.constant 0 : index
    %swap3A_83 = arith.constant 0 : index
    %swap3A_84 = vector.load %arg4[%swap3A, %swap3A_82, %swap3A_83] : memref<1x1024x128xf32, #tpu.memory_space<vmem>>, vector<1x1024x128xf32>
    %swap3A_85 = vector.shape_cast %swap3A_84 : vector<1x1024x128xf32> to vector<1024x128xf32>
    %swap3A_86 = vector.shape_cast %div3A : vector<1024x128xf32> to vector<1x1024x128xf32>
    tpu.vector_store %arg4[%swap3A, %swap3A_82, %swap3A_83], %swap3A_86 {strides = array<i32>} : memref<1x1024x128xf32, #tpu.memory_space<vmem>>, vector<1x1024x128xf32>,
    %swap3A_87 = arith.constant 0 : index
    %swap3A_88 = arith.constant 0 : index
    %swap3A_89 = arith.constant 0 : index
    %swap3A_90 = vector.load %arg5[%swap3A_87, %swap3A_88, %swap3A_89] : memref<1x1024x128xf32, #tpu.memory_space<vmem>>, vector<1x1024x128xf32>
    %swap3A_91 = vector.shape_cast %swap3A_90 : vector<1x1024x128xf32> to vector<1024x128xf32>
    %swap3A_92 = vector.shape_cast %sub3A : vector<1024x128xf32> to vector<1x1024x128xf32>
    tpu.vector_store %arg5[%swap3A_87, %swap3A_88, %swap3A_89], %swap3A_92 {strides = array<i32>} : memref<1x1024x128xf32, #tpu.memory_space<vmem>>, vector<1x1024x128xf32>,
    return
  }
  func.func @transform_0(%arg0: i32, %arg1: i32) -> (i32, i32, i32, i32) {
    %c0_i32 = arith.constant 0 : i32
    %c0_i32_0 = arith.constant 0 : i32
    %c0_i32_1 = arith.constant 0 : i32
    return %arg0, %c0_i32, %arg1, %c0_i32_0 : i32, i32, i32, i32
  }
  func.func @transform_1(%arg0: i32, %arg1: i32) -> (i32, i32, i32) {
    %c0_i32 = arith.constant 0 : i32
    %c0_i32_0 = arith.constant 0 : i32
    return %arg0, %arg1, %c0_i32 : i32, i32, i32
  }
  func.func @transform_2(%arg0: i32, %arg1: i32) -> (i32, i32, i32) {
    %c0_i32 = arith.constant 0 : i32
    %c0_i32_0 = arith.constant 0 : i32
    return %arg0, %arg1, %c0_i32 : i32, i32, i32
  }
  func.func @transform_3(%arg0: i32, %arg1: i32) -> (i32, i32, i32) {
    %c0_i32 = arith.constant 0 : i32
    %c0_i32_0 = arith.constant 0 : i32
    return %arg0, %arg1, %c0_i32 : i32, i32, i32
  }
}

module attributes {stable_mosaic.version = 14 : i64} {
  func.func @_partials_body(%arg0: i32, %arg1: i32, %arg2: memref<1x8x1024x128xf32, #tpu.memory_space<vmem>>, %arg3: memref<1x1024x128xi32, #tpu.memory_space<vmem>>, %arg4: memref<1x1xf32, #tpu.memory_space<smem>>, %arg5: memref<1x1xf32, #tpu.memory_space<smem>>) attributes {dimension_semantics = [#tpu.dimension_semantics<arbitrary>, #tpu.dimension_semantics<arbitrary>], iteration_bounds = array<i64: 4, 2>, scalar_prefetch = 0 : i64, scratch_operands = 0 : i64, tpu.core_type = #tpu.core_type<tc>, window_params = [{transform_indices = @transform_0, window_bounds = array<i64: 1, 8, 1024, 128>}, {transform_indices = @transform_1, window_bounds = array<i64: 1, 1024, 128>}, {transform_indices = @transform_2, window_bounds = array<i64: 1, 1>}, {transform_indices = @transform_3, window_bounds = array<i64: 1, 1>}]} {
    %get3A = arith.constant 0 : index
    %get3A_0 = arith.constant 0 : index
    %get3A_1 = arith.constant 0 : index
    %get3A_2 = arith.constant 0 : index
    %get3A_3 = vector.load %arg2[%get3A, %get3A_0, %get3A_1, %get3A_2] : memref<1x8x1024x128xf32, #tpu.memory_space<vmem>>, vector<1x8x1024x128xf32>
    %get3A_4 = vector.shape_cast %get3A_3 : vector<1x8x1024x128xf32> to vector<8x1024x128xf32>
    %get3A_5 = arith.constant 0 : index
    %get3A_6 = arith.constant 0 : index
    %get3A_7 = arith.constant 0 : index
    %get3A_8 = vector.load %arg3[%get3A_5, %get3A_6, %get3A_7] : memref<1x1024x128xi32, #tpu.memory_space<vmem>>, vector<1x1024x128xi32>
    %get3A_9 = vector.shape_cast %get3A_8 : vector<1x1024x128xi32> to vector<1024x128xi32>
    %exp3A = math.exp %get3A_4 : vector<8x1024x128xf32>
    %reduce_sum3A = arith.constant dense<0.000000e+00> : vector<1024x128xf32>
    %reduce_sum3A_10 = vector.multi_reduction <add>, %exp3A, %reduce_sum3A [0] : vector<8x1024x128xf32> to vector<1024x128xf32>
    %broadcast_in_dim3A = arith.constant 0.000000e+00 : f32
    %broadcast_in_dim3A_11 = vector.broadcast %broadcast_in_dim3A : f32 to vector<1024x128xf32>
    %broadcast_in_dim3A_12 = arith.constant 0.000000e+00 : f32
    %broadcast_in_dim3A_13 = vector.broadcast %broadcast_in_dim3A_12 : f32 to vector<1024x128xf32>
    %eq3A = arith.constant 0 : i32
    %eq3A_14 = vector.broadcast %eq3A : i32 to vector<1024x128xi32>
    %eq3A_15 = arith.cmpi eq, %get3A_9, %eq3A_14 : vector<1024x128xi32>
    %slice3A = vector.extract_strided_slice %exp3A {offsets = [0, 0, 0], sizes = [1, 1024, 128], strides = [1, 1, 1]} : vector<8x1024x128xf32> to vector<1x1024x128xf32>
    %squeeze3A = vector.shape_cast %slice3A : vector<1x1024x128xf32> to vector<1024x128xf32>
    %select_n3A = arith.select %eq3A_15, %squeeze3A, %broadcast_in_dim3A_11 : vector<1024x128xi1>, vector<1024x128xf32>
    %slice3A_16 = vector.extract_strided_slice %get3A_4 {offsets = [0, 0, 0], sizes = [1, 1024, 128], strides = [1, 1, 1]} : vector<8x1024x128xf32> to vector<1x1024x128xf32>
    %squeeze3A_17 = vector.shape_cast %slice3A_16 : vector<1x1024x128xf32> to vector<1024x128xf32>
    %select_n3A_18 = arith.select %eq3A_15, %squeeze3A_17, %broadcast_in_dim3A_13 : vector<1024x128xi1>, vector<1024x128xf32>
    %eq3A_19 = arith.constant 1 : i32
    %eq3A_20 = vector.broadcast %eq3A_19 : i32 to vector<1024x128xi32>
    %eq3A_21 = arith.cmpi eq, %get3A_9, %eq3A_20 : vector<1024x128xi32>
    %slice3A_22 = vector.extract_strided_slice %exp3A {offsets = [1, 0, 0], sizes = [1, 1024, 128], strides = [1, 1, 1]} : vector<8x1024x128xf32> to vector<1x1024x128xf32>
    %squeeze3A_23 = vector.shape_cast %slice3A_22 : vector<1x1024x128xf32> to vector<1024x128xf32>
    %select_n3A_24 = arith.select %eq3A_21, %squeeze3A_23, %select_n3A : vector<1024x128xi1>, vector<1024x128xf32>
    %slice3A_25 = vector.extract_strided_slice %get3A_4 {offsets = [1, 0, 0], sizes = [1, 1024, 128], strides = [1, 1, 1]} : vector<8x1024x128xf32> to vector<1x1024x128xf32>
    %squeeze3A_26 = vector.shape_cast %slice3A_25 : vector<1x1024x128xf32> to vector<1024x128xf32>
    %select_n3A_27 = arith.select %eq3A_21, %squeeze3A_26, %select_n3A_18 : vector<1024x128xi1>, vector<1024x128xf32>
    %eq3A_28 = arith.constant 2 : i32
    %eq3A_29 = vector.broadcast %eq3A_28 : i32 to vector<1024x128xi32>
    %eq3A_30 = arith.cmpi eq, %get3A_9, %eq3A_29 : vector<1024x128xi32>
    %slice3A_31 = vector.extract_strided_slice %exp3A {offsets = [2, 0, 0], sizes = [1, 1024, 128], strides = [1, 1, 1]} : vector<8x1024x128xf32> to vector<1x1024x128xf32>
    %squeeze3A_32 = vector.shape_cast %slice3A_31 : vector<1x1024x128xf32> to vector<1024x128xf32>
    %select_n3A_33 = arith.select %eq3A_30, %squeeze3A_32, %select_n3A_24 : vector<1024x128xi1>, vector<1024x128xf32>
    %slice3A_34 = vector.extract_strided_slice %get3A_4 {offsets = [2, 0, 0], sizes = [1, 1024, 128], strides = [1, 1, 1]} : vector<8x1024x128xf32> to vector<1x1024x128xf32>
    %squeeze3A_35 = vector.shape_cast %slice3A_34 : vector<1x1024x128xf32> to vector<1024x128xf32>
    %select_n3A_36 = arith.select %eq3A_30, %squeeze3A_35, %select_n3A_27 : vector<1024x128xi1>, vector<1024x128xf32>
    %eq3A_37 = arith.constant 3 : i32
    %eq3A_38 = vector.broadcast %eq3A_37 : i32 to vector<1024x128xi32>
    %eq3A_39 = arith.cmpi eq, %get3A_9, %eq3A_38 : vector<1024x128xi32>
    %slice3A_40 = vector.extract_strided_slice %exp3A {offsets = [3, 0, 0], sizes = [1, 1024, 128], strides = [1, 1, 1]} : vector<8x1024x128xf32> to vector<1x1024x128xf32>
    %squeeze3A_41 = vector.shape_cast %slice3A_40 : vector<1x1024x128xf32> to vector<1024x128xf32>
    %select_n3A_42 = arith.select %eq3A_39, %squeeze3A_41, %select_n3A_33 : vector<1024x128xi1>, vector<1024x128xf32>
    %slice3A_43 = vector.extract_strided_slice %get3A_4 {offsets = [3, 0, 0], sizes = [1, 1024, 128], strides = [1, 1, 1]} : vector<8x1024x128xf32> to vector<1x1024x128xf32>
    %squeeze3A_44 = vector.shape_cast %slice3A_43 : vector<1x1024x128xf32> to vector<1024x128xf32>
    %select_n3A_45 = arith.select %eq3A_39, %squeeze3A_44, %select_n3A_36 : vector<1024x128xi1>, vector<1024x128xf32>
    %eq3A_46 = arith.constant 4 : i32
    %eq3A_47 = vector.broadcast %eq3A_46 : i32 to vector<1024x128xi32>
    %eq3A_48 = arith.cmpi eq, %get3A_9, %eq3A_47 : vector<1024x128xi32>
    %slice3A_49 = vector.extract_strided_slice %exp3A {offsets = [4, 0, 0], sizes = [1, 1024, 128], strides = [1, 1, 1]} : vector<8x1024x128xf32> to vector<1x1024x128xf32>
    %squeeze3A_50 = vector.shape_cast %slice3A_49 : vector<1x1024x128xf32> to vector<1024x128xf32>
    %select_n3A_51 = arith.select %eq3A_48, %squeeze3A_50, %select_n3A_42 : vector<1024x128xi1>, vector<1024x128xf32>
    %slice3A_52 = vector.extract_strided_slice %get3A_4 {offsets = [4, 0, 0], sizes = [1, 1024, 128], strides = [1, 1, 1]} : vector<8x1024x128xf32> to vector<1x1024x128xf32>
    %squeeze3A_53 = vector.shape_cast %slice3A_52 : vector<1x1024x128xf32> to vector<1024x128xf32>
    %select_n3A_54 = arith.select %eq3A_48, %squeeze3A_53, %select_n3A_45 : vector<1024x128xi1>, vector<1024x128xf32>
    %eq3A_55 = arith.constant 5 : i32
    %eq3A_56 = vector.broadcast %eq3A_55 : i32 to vector<1024x128xi32>
    %eq3A_57 = arith.cmpi eq, %get3A_9, %eq3A_56 : vector<1024x128xi32>
    %slice3A_58 = vector.extract_strided_slice %exp3A {offsets = [5, 0, 0], sizes = [1, 1024, 128], strides = [1, 1, 1]} : vector<8x1024x128xf32> to vector<1x1024x128xf32>
    %squeeze3A_59 = vector.shape_cast %slice3A_58 : vector<1x1024x128xf32> to vector<1024x128xf32>
    %select_n3A_60 = arith.select %eq3A_57, %squeeze3A_59, %select_n3A_51 : vector<1024x128xi1>, vector<1024x128xf32>
    %slice3A_61 = vector.extract_strided_slice %get3A_4 {offsets = [5, 0, 0], sizes = [1, 1024, 128], strides = [1, 1, 1]} : vector<8x1024x128xf32> to vector<1x1024x128xf32>
    %squeeze3A_62 = vector.shape_cast %slice3A_61 : vector<1x1024x128xf32> to vector<1024x128xf32>
    %select_n3A_63 = arith.select %eq3A_57, %squeeze3A_62, %select_n3A_54 : vector<1024x128xi1>, vector<1024x128xf32>
    %eq3A_64 = arith.constant 6 : i32
    %eq3A_65 = vector.broadcast %eq3A_64 : i32 to vector<1024x128xi32>
    %eq3A_66 = arith.cmpi eq, %get3A_9, %eq3A_65 : vector<1024x128xi32>
    %slice3A_67 = vector.extract_strided_slice %exp3A {offsets = [6, 0, 0], sizes = [1, 1024, 128], strides = [1, 1, 1]} : vector<8x1024x128xf32> to vector<1x1024x128xf32>
    %squeeze3A_68 = vector.shape_cast %slice3A_67 : vector<1x1024x128xf32> to vector<1024x128xf32>
    %select_n3A_69 = arith.select %eq3A_66, %squeeze3A_68, %select_n3A_60 : vector<1024x128xi1>, vector<1024x128xf32>
    %slice3A_70 = vector.extract_strided_slice %get3A_4 {offsets = [6, 0, 0], sizes = [1, 1024, 128], strides = [1, 1, 1]} : vector<8x1024x128xf32> to vector<1x1024x128xf32>
    %squeeze3A_71 = vector.shape_cast %slice3A_70 : vector<1x1024x128xf32> to vector<1024x128xf32>
    %select_n3A_72 = arith.select %eq3A_66, %squeeze3A_71, %select_n3A_63 : vector<1024x128xi1>, vector<1024x128xf32>
    %eq3A_73 = arith.constant 7 : i32
    %eq3A_74 = vector.broadcast %eq3A_73 : i32 to vector<1024x128xi32>
    %eq3A_75 = arith.cmpi eq, %get3A_9, %eq3A_74 : vector<1024x128xi32>
    %slice3A_76 = vector.extract_strided_slice %exp3A {offsets = [7, 0, 0], sizes = [1, 1024, 128], strides = [1, 1, 1]} : vector<8x1024x128xf32> to vector<1x1024x128xf32>
    %squeeze3A_77 = vector.shape_cast %slice3A_76 : vector<1x1024x128xf32> to vector<1024x128xf32>
    %select_n3A_78 = arith.select %eq3A_75, %squeeze3A_77, %select_n3A_69 : vector<1024x128xi1>, vector<1024x128xf32>
    %slice3A_79 = vector.extract_strided_slice %get3A_4 {offsets = [7, 0, 0], sizes = [1, 1024, 128], strides = [1, 1, 1]} : vector<8x1024x128xf32> to vector<1x1024x128xf32>
    %squeeze3A_80 = vector.shape_cast %slice3A_79 : vector<1x1024x128xf32> to vector<1024x128xf32>
    %select_n3A_81 = arith.select %eq3A_75, %squeeze3A_80, %select_n3A_72 : vector<1024x128xi1>, vector<1024x128xf32>
    %mul3A = arith.constant 0.699999988 : f32
    %mul3A_82 = vector.broadcast %mul3A : f32 to vector<1024x128xf32>
    %mul3A_83 = arith.mulf %mul3A_82, %reduce_sum3A_10 : vector<1024x128xf32>
    %le3A = arith.cmpf ole, %select_n3A_78, %mul3A_83 : vector<1024x128xf32>
    %convert_element_type3A = arith.extui %le3A : vector<1024x128xi1> to vector<1024x128xi32>
    %convert_element_type3A_84 = arith.sitofp %convert_element_type3A : vector<1024x128xi32> to vector<1024x128xf32>
    %log3A = math.log %reduce_sum3A_10 : vector<1024x128xf32>
    %sub3A = arith.subf %log3A, %select_n3A_81 : vector<1024x128xf32>
    %reduce_sum3A_85 = vector.shape_cast %convert_element_type3A_84 : vector<1024x128xf32> to vector<1x1024x128xf32>
    %reduce_sum3A_86 = arith.constant dense<0.000000e+00> : vector<1xf32>
    %reduce_sum3A_87 = vector.multi_reduction <add>, %reduce_sum3A_85, %reduce_sum3A_86 [1, 2] : vector<1x1024x128xf32> to vector<1xf32>
    %reduce_sum3A_88 = vector.shape_cast %reduce_sum3A_87 : vector<1xf32> to vector<1x1x1xf32>
    %reduce_sum3A_89 = vector.extract %reduce_sum3A_88[0, 0, 0] : f32 from vector<1x1x1xf32>
    %mul3A_90 = arith.mulf %sub3A, %convert_element_type3A_84 : vector<1024x128xf32>
    %reduce_sum3A_91 = vector.shape_cast %mul3A_90 : vector<1024x128xf32> to vector<1x1024x128xf32>
    %reduce_sum3A_92 = arith.constant dense<0.000000e+00> : vector<1xf32>
    %reduce_sum3A_93 = vector.multi_reduction <add>, %reduce_sum3A_91, %reduce_sum3A_92 [1, 2] : vector<1x1024x128xf32> to vector<1xf32>
    %reduce_sum3A_94 = vector.shape_cast %reduce_sum3A_93 : vector<1xf32> to vector<1x1x1xf32>
    %reduce_sum3A_95 = vector.extract %reduce_sum3A_94[0, 0, 0] : f32 from vector<1x1x1xf32>
    %eq3A_96 = arith.constant 0 : i32
    %eq3A_97 = arith.cmpi eq, %arg0, %eq3A_96 : i32
    %eq3A_98 = arith.constant 0 : i32
    %eq3A_99 = arith.cmpi eq, %arg1, %eq3A_98 : i32
    %and3A = arith.andi %eq3A_97, %eq3A_99 : i1
    %get3A_100 = arith.constant 0 : index
    %get3A_101 = arith.constant 0 : index
    %get3A_102 = memref.load %arg4[%get3A_100, %get3A_101] : memref<1x1xf32, #tpu.memory_space<smem>>
    %jit3A = arith.constant 0.000000e+00 : f32
    %select_n3A_103 = arith.select %and3A, %jit3A, %get3A_102 : f32
    %get3A_104 = arith.constant 0 : index
    %get3A_105 = arith.constant 0 : index
    %get3A_106 = memref.load %arg5[%get3A_104, %get3A_105] : memref<1x1xf32, #tpu.memory_space<smem>>
    %jit3A_107 = arith.constant 0.000000e+00 : f32
    %select_n3A_108 = arith.select %and3A, %jit3A_107, %get3A_106 : f32
    %add3A = arith.addf %select_n3A_103, %reduce_sum3A_89 : f32
    %swap3A = arith.constant 0 : index
    %swap3A_109 = arith.constant 0 : index
    %swap3A_110 = memref.load %arg4[%swap3A, %swap3A_109] : memref<1x1xf32, #tpu.memory_space<smem>>
    memref.store %add3A, %arg4[%swap3A, %swap3A_109] : memref<1x1xf32, #tpu.memory_space<smem>>
    %add3A_111 = arith.addf %select_n3A_108, %reduce_sum3A_95 : f32
    %swap3A_112 = arith.constant 0 : index
    %swap3A_113 = arith.constant 0 : index
    %swap3A_114 = memref.load %arg5[%swap3A_112, %swap3A_113] : memref<1x1xf32, #tpu.memory_space<smem>>
    memref.store %add3A_111, %arg5[%swap3A_112, %swap3A_113] : memref<1x1xf32, #tpu.memory_space<smem>>
    return
  }
  func.func @transform_0(%arg0: i32, %arg1: i32) -> (i32, i32, i32, i32) {
    %c0_i32 = arith.constant 0 : i32
    %c0_i32_0 = arith.constant 0 : i32
    %c0_i32_1 = arith.constant 0 : i32
    return %arg0, %c0_i32, %arg1, %c0_i32_0 : i32, i32, i32, i32
  }
  func.func @transform_1(%arg0: i32, %arg1: i32) -> (i32, i32, i32) {
    %c0_i32 = arith.constant 0 : i32
    %c0_i32_0 = arith.constant 0 : i32
    return %arg0, %arg1, %c0_i32 : i32, i32, i32
  }
  func.func @transform_2(%arg0: i32, %arg1: i32) -> (i32, i32) {
    %c0_i32 = arith.constant 0 : i32
    %c0_i32_0 = arith.constant 0 : i32
    %c0_i32_1 = arith.constant 0 : i32
    return %c0_i32, %c0_i32_0 : i32, i32
  }
  func.func @transform_3(%arg0: i32, %arg1: i32) -> (i32, i32) {
    %c0_i32 = arith.constant 0 : i32
    %c0_i32_0 = arith.constant 0 : i32
    %c0_i32_1 = arith.constant 0 : i32
    return %c0_i32, %c0_i32_0 : i32, i32
  }
}

</mosaic_0001>

<sc_bundles>
// kernel: branch_0_fun.4.cloned.1.call-start
scs
__scs_entry_jumppad:
0x0: {  	(pc) =	sbr.rel $0x88, $3  }
0x1: {  	(tag) =	ssettag $0x0;
	lr =	simm.s32 $0x1  }
0x2: {  	[smem:$0x3F9F] =	sst lr;
	_ =	strace $0xD0000000  }
0x3: {  	_ = 	snop  }
0x4: {  	_ = 	snop  }
0x5: {  	_ = 	snop  }
0x6: {  	_ = 	snop  }
0x7: {  	_ = 	snop  }
__scs_overlays_trampoline_lowered:
0x8: {  	[smem:$0x3FAE] =	sst s0  }
0x9: {  	[smem:$0x3FAF] =	sst s1  }
0xa: {  	[smem:$0x3FB0] =	sst s2  }
0xb: {  	[smem:$0x3FB1] =	sst s3  }
0xc: {  	[smem:$0x3FB2] =	sst s4  }
0xd: {  	[smem:$0x3FB3] =	sst s5  }
0xe: {  	[smem:$0x3FB4] =	sst s6  }
0xf: {  	[smem:$0x3FB5] =	sst s7  }
0x10: {  	[smem:$0x3FB6] =	sst s8  }
0x11: {  	[smem:$0x3FB7] =	sst s9;
	s0 =	simm.s32 @!p0 $0x0  }
0x12: {  	s1 =	sld [smem:$0x3F9D];
	s0 =	simm.s32 @p0 $0x1  }
0x13: {  	[smem:$0x3FB8] =	sst s0;
	s0 =	simm.s32 @!p1 $0x0  }
0x14: {  	s2 =	sld [smem:$0x3F9C];
	s0 =	simm.s32 @p1 $0x1  }
0x15: {  	[smem:$0x3FB9] =	sst s0;
	s0 =	simm.s32 @!p2 $0x0  }
0x16: {  	s3 =	sld [smem:$0x3FDB];
	s0 =	simm.s32 @p2 $0x1  }
0x17: {  	s4 =	simm.s32 $0x1BF5;
	[smem:$0x3FBB] =	sst s0  }
0x18: {  	s0 =	sld [smem:$0x3F9E];
	_ =	swait.ge [sflag:s4], $0x0  }
0x19: {  	s7 =	sld [smem:$0x3F9F]  }
0x1a: {  	s8 =	sadd.s32 $0xFFFFE003, lr  }
0x1b: {  	s9 =	sadd.s32 $0xFFFFFEF7, lr;
	s5 =	simm.s32 $0xFFFFFFFF;
	p2 =	slt.u32 s8, $0xFFFFF086  }
0x1c: {  	p1 =	slt.u32 s9, $0xF7A;
	s5 =	simm.s32 @!p2 $0x0  }
0x1d: {  	s5 =	simm.s32 @p1 $0x1;
	p0 =	seq.s32 s7, s2  }
0x1e: {  	s7 =	smul.u32 @!p0 $0xF7A, s2;
	p2 =	seq.s32 @!p0 s5, $0x0  }
0x1f: {  	s9 =	smul.u32 $0xF7A, s1;
	s8 =	simm.s32 @!p0 $0x1BF5;
	p2 =	por !p2, p0  }
0x20: {  	[sflag:s8] =	ssyncset.s32 @!p0 $0xFFFFF086;
	s6 =	sadd.s32 @!p0 s3, s7;
	s7 =	simm.s32 @!p0 $0x108  }
0x21: {  	s3 =	sadd.s32 s3, s9;
	s6 =	sadd.s32 @!p0 $0x88, s6;
	s7 =	simm.s32 @p2 $0x1082  }
0x22: {  	[simem:s7], [sflag:s8] =	dma.local @!p0 [hbm:s6], $0xF7A  }
0x23: {  	s9 =	sor.u32 $0xD0000000, s2;
	s6 =	simm.s32 $0x108;
	_ =	swait.ge @!p0 [sflag:s8], $0x0  }
0x24: {  	s3 =	sadd.s32 $0x88, s3;
	s6 =	simm.s32 @!p1 $0x1082;
	[sflag:s4] =	ssyncset.s32 $0xFFFFF086  }
0x25: {  	[simem:s6], [sflag:s4] =	dma.local [hbm:s3], $0xF7A  }
0x26: {  	[smem:$0x3F9F] =	sst s1;
	(tag) =	ssettag s2;
	_ =	strace s9  }
0x27: {  	s1 =	sld [smem:$0x3FAF]  }
0x28: {  	s2 =	sld [smem:$0x3FB0]  }
0x29: {  	s4 =	sld [smem:$0x3FB2]  }
0x2a: {  	p0 =	seq.s32 s5, $0x0;
	s5 =	sld [smem:$0x3FB3]  }
0x2b: {  	s6 =	sld [smem:$0x3FB4]  }
0x2c: {  	s7 =	sld [smem:$0x3FB5]  }
0x2d: {  	s3 =	simm.s32 $0x108;
	s8 =	sld [smem:$0x3FB6]  }
0x2e: {  	s3 =	simm.s32 @!p0 $0x1082;
	s9 =	sld [smem:$0x3FB7]  }
0x2f: {  	lr =	sadd.s32 s0, s3;
	s0 =	sld [smem:$0x3FAE]  }
0x30: {  	s3 =	sld [smem:$0x3FB1]  }
0x31: {  	[smem:$0x3FBA] =	sst s10  }
0x32: {  	s10 =	sld [smem:$0x3FB8];
	_ =	sdelay $0x3  }
0x33: {  	p0 =	seq.s32 s10, $0x1;
	s10 =	sld [smem:$0x3FBA];
	_ =	sdelay $0x3  }
0x34: {  	[smem:$0x3FBA] =	sst s10  }
0x35: {  	s10 =	sld [smem:$0x3FB9];
	_ =	sdelay $0x3  }
0x36: {  	p1 =	seq.s32 s10, $0x1;
	s10 =	sld [smem:$0x3FBA];
	_ =	sdelay $0x3  }
0x37: {  	[smem:$0x3FBA] =	sst s10  }
0x38: {  	s10 =	sld [smem:$0x3FBB]  }
0x39: {  	_ = 	snop;
	(pc) =	sbr.ind lr, $3  }
0x3a: {  	_ = 	snop  }
0x3b: {  	_ = 	snop  }
0x3c: {  	p2 =	seq.s32 s10, $0x1;
	s10 =	sld [smem:$0x3FBA]  }
0x3d: {  	_ =	shalt  }
0x3e: {  	_ =	shalt  }
0x3f: {  	_ =	shalt  }
0x40: {  	_ =	shalt  }
0x41: {  	_ =	shalt  }
0x42: {  	_ =	shalt  }
0x43: {  	_ =	shalt  }
0x44: {  	_ =	shalt  }
0x45: {  	_ =	shalt  }
0x46: {  	_ =	shalt  }
0x47: {  	_ =	shalt  }
0x48: {  	_ =	shalt  }
0x49: {  	_ =	shalt  }
0x4a: {  	_ =	shalt  }
0x4b: {  	_ =	shalt  }
0x4c: {  	_ =	shalt  }
0x4d: {  	_ =	shalt  }
0x4e: {  	_ =	shalt  }
0x4f: {  	_ =	shalt  }
0x50: {  	_ =	shalt  }
0x51: {  	_ =	shalt  }
0x52: {  	_ =	shalt  }
0x53: {  	_ =	shalt  }
0x54: {  	_ =	shalt  }
0x55: {  	_ =	shalt  }
0x56: {  	_ =	shalt  }
0x57: {  	_ =	shalt  }
0x58: {  	_ =	shalt  }
0x59: {  	_ =	shalt  }
0x5a: {  	_ =	shalt  }
0x5b: {  	_ =	shalt  }
0x5c: {  	_ =	shalt  }
0x5d: {  	_ =	shalt  }
0x5e: {  	_ =	shalt  }
0x5f: {  	_ =	shalt  }
0x60: {  	_ =	shalt  }
0x61: {  	_ =	shalt  }
0x62: {  	_ =	shalt  }
0x63: {  	_ =	shalt  }
0x64: {  	_ =	shalt  }
0x65: {  	_ =	shalt  }
0x66: {  	_ =	shalt  }
0x67: {  	_ =	shalt  }
0x68: {  	_ =	shalt  }
0x69: {  	_ =	shalt  }
0x6a: {  	_ =	shalt  }
0x6b: {  	_ =	shalt  }
0x6c: {  	_ =	shalt  }
0x6d: {  	_ =	shalt  }
0x6e: {  	_ =	shalt  }
0x6f: {  	_ =	shalt  }
0x70: {  	_ =	shalt  }
0x71: {  	_ =	shalt  }
0x72: {  	_ =	shalt  }
0x73: {  	_ =	shalt  }
0x74: {  	_ =	shalt  }
0x75: {  	_ =	shalt  }
0x76: {  	_ =	shalt  }
0x77: {  	_ =	shalt  }
0x78: {  	_ =	shalt  }
0x79: {  	_ =	shalt  }
0x7a: {  	_ =	shalt  }
0x7b: {  	_ =	shalt  }
0x7c: {  	_ =	shalt  }
0x7d: {  	_ =	shalt  }
0x7e: {  	_ =	shalt  }
0x7f: {  	_ =	shalt  }
0x80: {  	_ =	shalt  }
0x81: {  	_ =	shalt  }
0x82: {  	_ =	shalt  }
0x83: {  	_ =	shalt  }
0x84: {  	_ =	shalt  }
0x85: {  	_ =	shalt  }
0x86: {  	_ =	shalt  }
0x87: {  	_ =	shalt  }
.Lfunc_end0:
.L_simem_size_0:
called_computation_lowered:
.L_overlay_start_0:
0x88: {  	s0 =	sld [smem:$0x3FD9]  }
0x89: {  	s1 =	sld [smem:$0x3FFE];
	_ =	sdelay $0x3  }
0x8a: {  	s0 =	sadd.s32 s1, s0  }
0x8b: {  	[smem:$0x3FC6] =	sst s0  }
0x8c: {  	_ = 	snop  }
0x8d: {  	s0 =	sld [smem:$0x3FD0];
	(tm) =	ssettm $0x1  }
0x8e: {  	s16 =	sld [smem:$0x3FFB];
	_ =	sdelay $0x3  }
0x8f: {  	_ =	strace s16  }
0x90: {  	s1 =	sld [smem:$0x3FFC];
	_ =	sdelay $0x3  }
0x91: {  	_ =	strace s1  }
0x92: {  	s1 =	sld [smem:$0x3FFD];
	_ =	sdelay $0x3  }
0x93: {  	_ =	strace s1  }
0x94: {  	_ =	strace $0x8FFFFFFF  }
0x95: {  	s17 =	sld [smem:$0x3FDB];
	_ =	sdelay $0x1  }
0x96: {  	s2 =	simm.s32 $_scs_section_size  }
0x97: {  	s3 =	simm.s32 $_size__tile_overlayer_lowered;
	s4 =	simm.s32 $_tile_overlayer_lowered  }
0x98: {  	s20 =	simm.s32 $0x1BFF;
	s19 =	sshll.u32 s4, $0x1;
	s1 =	sadd.s32 s2, s17  }
0x99: {  	s5 =	simm.s32 $0x0;
	s18 =	sshll.u32 s3, $0x1;
	s3 =	sadd.s32 s19, s1  }
0x9a: {  	[timem:s5], [sflag:s20] =	dma.local [hbm:s3], s18  }
0x9b: {  	_ =	swait.ge [sflag:s20], s18  }
0x9c: {  	s2 =	ssub.s32 $0x0, s18;
	[sflag:s20] =	ssyncset.done $0x0  }
0x9d: {  	[sflag:s20] =	ssyncadd.s32 s2;
	_ =	sdelay $0x1  }
0x9e: {  	s21 =	simm.s32 $0x1B8B  }
0x9f: {  	_ =	swait.ge [sflag:s21], $0x1  }
0xa0: {  	[sflag:s21] =	ssyncset.done $0x0  }
0xa1: {  	s23 =	simm.s32 $0x1B8E;
	s22 =	sld [smem:$0x3FFE];
	[sflag:s21] =	ssyncadd.s32 $0xFFFFFFFF  }
0xa2: {  	s24 =	simm.s32 $execute0_lowered;
	[smem:$0x3FD2] =	sst s23  }
0xa3: {  	s3 =	sshll.u32 s24, $0x1;
	_ =	strace $0x80000046;
	[dreg:$0x1] =	wrdreg $0xFFFFFFFF  }
0xa4: {  	s25 =	simm.s32 $_size_execute0_lowered;
	s1 =	sadd.s32 s1, s3;
	[dreg:$0x0] =	wrdreg $0x0  }
0xa5: {  	s3 =	sshll.u32 s25, $0x1;
	[dreg:$0x2] =	wrdreg s1  }
0xa6: {  	[dreg:$0x3] =	wrdreg s3  }
0xa7: {  	[dreg:$0x4] =	wrdreg $0xC0  }
0xa8: {  	_ =	task [dreg:s5], $0x5FFFF  }
0xa9: {  	[dreg:$0x1] =	wrdreg $0xFFFFFFFF  }
0xaa: {  	[dreg:$0x0] =	wrdreg $0x60  }
0xab: {  	[dreg:$0x2] =	wrdreg s22  }
0xac: {  	[dreg:$0x3] =	wrdreg s0  }
0xad: {  	[dreg:$0x4] =	wrdreg $0x121800  }
0xae: {  	[dreg:$0x5] =	wrdreg $0x9  }
0xaf: {  	_ =	task.clear_ibuf [dreg:s5], $0x6FFFF;
	_ =	strace $0x90000046  }
0xb0: {  	s26 =	simm.s32 $0x9;
	_ =	strace $0x80000048  }
0xb1: {  	_ =	swait.ge [sflag:s26], $0x1  }
0xb2: {  	[sflag:s26] =	ssyncadd.s32 $0xFFFFFFFF  }
0xb3: {  	_ =	strace $0x90000048  }
0xb4: {  	_ =	sfence  }
0xb5: {  	s28 =	sld [smem:$0x0];
	_ =	sdelay $0x1  }
0xb6: {  	s29 =	srdreg.scid  }
0xb7: {  	s30 =	sshll.u32 s29, $0xD;
	s31 =	sshrl.u32 s29, $0x2  }
0xb8: {  	s2 =	sand.u32 $0x4000, s30;
	s1 =	sand.u32 $0x1, s29;
	s0 =	sadd.s32 s31, s28  }
0xb9: {  	s1 =	sor.u32 s2, s1;
	s0 =	sshll.u32 s0, $0x11  }
0xba: {  	s0 =	sor.u32 s0, s1  }
0xbb: {  	s0 =	sadd.s32 $0x8F2B, s0  }
0xbc: {  	[sflag:s0] =	ssyncadd.remote.s32 $0x1  }
0xbd: {  	_ =	sfence.sel $0xFFFF  }
0xbe: {  	[dreg:$0x0] =	wrdreg $0xFFFFFFFF;
	(pc) =	sbr.abs _section_cstart, $3  }
0xbf: {  	[dreg:$0x1] =	wrdreg $0xFFFFFFFF  }
0xc0: {  	_ =	task.clear_ibuf [dreg:s5], $0x2FFFF;
	_ =	strace $0x9FFFFFFF  }
0xc1: {  	(tm) =	ssettm $0x7FFFFFFF  }
tec
execute0_lowered:
.L_overlay_start_1:
0x0: {  	(tag) =	ssettag $0x1  }
0x1: {  	s4 =	rddreg [dreg:$0x0]  }
0x2: {  	s1 =	rddreg [dreg:$0x1]  }
0x3: {  	s3 =	rddreg [dreg:$0x2];
	s2 =	stileid.u32  }
0x4: {  	s0 =	rddreg [dreg:$0x3];
	s6 =	simm.s32 $0x0;
	s5 =	sshll.u32 s2, $0xD  }
0x5: {  	[smem:$0x7FF] =	sst s6;
	s5 =	sadd.s32 s5, s4  }
0x6: {  	s7 =	simm.s32 $0x1;
	_ =	strace $0x80000047;
	s5 =	sadd.s32 $0x121600, s5  }
0x7: {  	[tilespmem:s6], [sflag:$0x1] =	stream.linear.gather [hbm4b:s5+s6], $0x10000, $0x38;
	[tilespmem:$0x12190] =	vst v63  }
0x8: {  	s9 =	simm.s32 $0x12080;
	_ =	swait.ge [sflag:s7], $0x10000  }
0x9: {  	v1 =	vimm.s32 $0x0;
	s8 =	sshll.u32 s2, $0x4;
	s5 =	sadd.s32 $0x101600, s4;
	[sflag:s7] =	ssyncset.done $0x0  }
0xa: {  	v0 =	vimm.s32 $0x3F800000;
	v2 =	vimm.f32 $1.000000000e+00;
	v3 =	vimm.s32 $0x0;
	s4 =	sadd.s32 s8, s3;
	s8 =	simm.s32 $0x12000;
	[sflag:s7] =	ssyncadd.s32 $0xFFFF0000  }
.LBB2_1:
0xb: {  	s11 =	simm.s32 $0x0  }
0xc: {  	v4 =	vadd.s32 v3, v0;
	v6 =	vld [tilespmem:s11+$0x0]  }
0xd: {  	v5 =	vimm.f32 $0.0e+00;
	s10 =	simm.s32 $0x40;
	v4 =	vshrl.u32 v4, $0x1  }
.LBB2_2:
0xe: {  	p0 =	sne.s32 s10, $0x3FFC0  }
.Ltmp0:
0xf: {  	_ = 	snop;
	(pc) =	sbr.rel @p0 .LBB2_2-.Ltmp0, $4  }
0x10: {  	_ = 	snop  }
0x11: {  	s11 =	sshra.s32 s10, $0x2;
	s10 =	sadd.s32 $0x40, s10;
	vm0 =	vgt.s32 v6, v4  }
0x12: {  	v6 =	vld [tilespmem:s11+$0x0];
	v7 =	vsel vm0, $0x0, v2  }
0x13: {  	v5 =	vadd.f32 v7, v5  }
0x14: {  	_ =	sdelay $0x2  }
0x15: {  	vm0 =	vgt.s32 v6, v4  }
0x16: {  	v6 =	vsel vm0, $0x0, v2  }
0x17: {  	v5 =	vadd.f32 v6, v5;
	_ =	sdelay $0x1  }
0x18: {  	[tilespmem:$0x12000] =	vst v5  }
0x19: {  	[spmem:s4] =	stream.linear.scatter [tilespmem:s8], [sflag:$0x1], $0x10, $0x38;
	[tilespmem:$0x12190] =	vst v63  }
0x1a: {  	_ =	swait.ge [sflag:s7], $0x10  }
0x1b: {  	[sflag:s7] =	ssyncset.done $0x0  }
0x1c: {  	[sflag:s7] =	ssyncadd.s32 $0xFFFFFFF0  }
0x1d: {  	[bflag:$0x0] =	sbarrier.arrive $0xFFFF  }
0x1e: {  	[tilespmem:s9], [sflag:$0x1] =	stream.linear.gather [spmem:s3], $0x100, $0x38;
	[tilespmem:$0x12190] =	vst v63  }
0x1f: {  	_ =	swait.ge [sflag:s7], $0x100  }
0x20: {  	[sflag:s7] =	ssyncset.done $0x0  }
0x21: {  	[sflag:s7] =	ssyncadd.s32 $0xFFFFFF00  }
0x22: {  	v5 =	vld [tilespmem:$0x12080];
	_ =	sdelay $0x1  }
0x23: {  	v51 =	vld [tilespmem:$0x12090];
	_ =	sdelay $0x1  }
0x24: {  	v7 =	vld [tilespmem:$0x120A0]  }
0x25: {  	v5 =	vadd.f32 $0.0e+00, v5  }
0x26: {  	v8 =	vld [tilespmem:$0x120B0]  }
0x27: {  	v5 =	vadd.f32 v51, v5  }
0x28: {  	v52 =	vld [tilespmem:$0x120C0]  }
0x29: {  	v5 =	vadd.f32 v7, v5  }
0x2a: {  	v53 =	vld [tilespmem:$0x120D0]  }
0x2b: {  	v5 =	vadd.f32 v8, v5  }
0x2c: {  	v54 =	vld [tilespmem:$0x120E0]  }
0x2d: {  	v5 =	vadd.f32 v52, v5  }
0x2e: {  	v55 =	vld [tilespmem:$0x120F0]  }
0x2f: {  	v5 =	vadd.f32 v53, v5  }
0x30: {  	v56 =	vld [tilespmem:$0x12100]  }
0x31: {  	v5 =	vadd.f32 v54, v5  }
0x32: {  	v57 =	vld [tilespmem:$0x12110]  }
0x33: {  	v5 =	vadd.f32 v55, v5  }
0x34: {  	v58 =	vld [tilespmem:$0x12120]  }
0x35: {  	v5 =	vadd.f32 v56, v5  }
0x36: {  	v59 =	vld [tilespmem:$0x12130]  }
0x37: {  	v5 =	vadd.f32 v57, v5  }
0x38: {  	v60 =	vld [tilespmem:$0x12140]  }
0x39: {  	v5 =	vadd.f32 v58, v5  }
0x3a: {  	v61 =	vld [tilespmem:$0x12150]  }
0x3b: {  	v5 =	vadd.f32 v59, v5  }
0x3c: {  	v62 =	vld [tilespmem:$0x12160]  }
0x3d: {  	v5 =	vadd.f32 v60, v5  }
0x3e: {  	v63 =	vld [tilespmem:$0x12170]  }
0x3f: {  	v5 =	vadd.f32 v61, v5;
	_ =	sdelay $0x1  }
0x40: {  	v5 =	vadd.f32 v62, v5;
	_ =	sdelay $0x1  }
0x41: {  	v5 =	vadd.f32 v63, v5  }
0x42: {  	[bflag:$0x0] =	sbarrier.arrive $0xFFFF  }
0x43: {  	(v2sf) =	vpush v5, $0x0  }
0x44: {  	(v2sf) =	vpush v5, $0x1;
	_ =	sdelay $0x1  }
0x45: {  	(v2sf) =	vpush v5, $0x2;
	_ =	sdelay $0x1  }
0x46: {  	(v2sf) =	vpush v5, $0x3;
	_ =	sdelay $0x1  }
0x47: {  	(v2sf) =	vpush v5, $0x4;
	_ =	sdelay $0x1  }
0x48: {  	(v2sf) =	vpush v5, $0x5;
	_ =	sdelay $0x1  }
0x49: {  	(v2sf) =	vpush v5, $0x6;
	_ =	sdelay $0x1  }
0x4a: {  	(v2sf) =	vpush v5, $0x7;
	_ =	sdelay $0x1  }
0x4b: {  	s10 =	spop (v2sf);
	(v2sf) =	vpush v5, $0x8  }
0x4c: {  	s11 =	spop (v2sf)  }
0x4d: {  	(v2sf) =	vpush v5, $0x9;
	s10 =	sadd.f32 s11, s10  }
0x4e: {  	s17 =	spop (v2sf)  }
0x4f: {  	(v2sf) =	vpush v5, $0xA;
	s10 =	sadd.f32 s10, s17  }
0x50: {  	s18 =	spop (v2sf)  }
0x51: {  	(v2sf) =	vpush v5, $0xB;
	s10 =	sadd.f32 s10, s18  }
0x52: {  	s19 =	spop (v2sf)  }
0x53: {  	(v2sf) =	vpush v5, $0xC;
	s10 =	sadd.f32 s10, s19  }
0x54: {  	s20 =	spop (v2sf)  }
0x55: {  	(v2sf) =	vpush v5, $0xD;
	s10 =	sadd.f32 s10, s20  }
0x56: {  	s21 =	spop (v2sf)  }
0x57: {  	(v2sf) =	vpush v5, $0xE;
	s10 =	sadd.f32 s10, s21  }
0x58: {  	s22 =	spop (v2sf)  }
0x59: {  	(v2sf) =	vpush v5, $0xF;
	s10 =	sadd.f32 s10, s22  }
0x5a: {  	s23 =	spop (v2sf)  }
0x5b: {  	s10 =	sadd.f32 s10, s23  }
0x5c: {  	s24 =	spop (v2sf)  }
0x5d: {  	s10 =	sadd.f32 s10, s24  }
0x5e: {  	s25 =	spop (v2sf)  }
0x5f: {  	s10 =	sadd.f32 s10, s25  }
0x60: {  	s26 =	spop (v2sf)  }
0x61: {  	s10 =	sadd.f32 s10, s26  }
0x62: {  	s28 =	spop (v2sf)  }
0x63: {  	s10 =	sadd.f32 s10, s28  }
0x64: {  	s29 =	spop (v2sf)  }
0x65: {  	s10 =	sadd.f32 s10, s29  }
0x66: {  	s30 =	spop (v2sf)  }
0x67: {  	s10 =	sadd.f32 s10, s30  }
0x68: {  	s31 =	spop (v2sf)  }
0x69: {  	s10 =	sadd.f32 s10, s31;
	_ =	sdelay $0x1  }
0x6a: {  	v5 =	vmov s10  }
0x6b: {  	s6 =	sadd.s32 $0x1, s6;
	vm14 =	vge.f32 v5, $1.000000000e+05  }
0x6c: {  	p0 =	sne.s32 s6, $0x1F;
	v5 =	vsel vm14, $0x1, v1  }
.Ltmp1:
0x6d: {  	v5 =	vbroadcast v5, $0x0;
	(pc) =	sbr.rel @p0 .LBB2_1-.Ltmp1, $4  }
0x6e: {  	_ = 	snop  }
0x6f: {  	v5 =	vand.u32 $0x1, v5  }
0x70: {  	vm15 =	veq.s32 v5, $0x1;
	v5 =	vadd.s32 $0x1, v4  }
0x71: {  	v3 =	vsel vm15, v3, v5;
	v0 =	vsel vm15, v4, v0  }
0x72: {  	vm0 =	vgt.s32 v0, $0x3F333333;
	s6 =	sshll.u32 s2, $0x10;
	v3 =	vimm.f32 $1.000000000e+00  }
0x73: {  	s7 =	simm.s32 $0x0;
	s8 =	simm.s32 $0x1;
	v2 =	vimm.f32 $0.0e+00;
	s9 =	simm.s32 $0x0;
	v1 =	vnsel vm0, $0x3F333333, v0;
	v0 =	vimm.f32 $0.0e+00  }
.LBB2_5:
0x74: {  	s10 =	sshll.u32 s9, $0xD  }
0x75: {  	s11 =	sadd.s32 s6, s10  }
0x76: {  	s11 =	sshrl.u32 s11, $0x3  }
0x77: {  	s12 =	sadd.s32 s5, s11;
	s11 =	simm.s32 $0x10000  }
0x78: {  	[tilespmem:s11], [sflag:$0x1] =	stream.linear.gather [hbm4b:s12+s7], $0x2000, $0x38;
	[tilespmem:$0x12190] =	vst v63  }
0x79: {  	s31 =	sand.u32 $0x1F80, s7;
	_ =	swait.ge [sflag:s8], $0x2000  }
0x7a: {  	s13 =	sand.u32 $0x70, s7;
	s12 =	sadd.s32 s31, s10;
	[sflag:s8] =	ssyncset.done $0x0  }
0x7b: {  	s12 =	sadd.s32 s13, s12;
	[sflag:s8] =	ssyncadd.s32 $0xFFFFE000  }
0x7c: {  	v4 =	vld [tilespmem:s12+$0x0]  }
0x7d: {  	s12 =	simm.s32 $0x10;
	v5 =	vld [tilespmem:s11+$0x0]  }
.LBB2_6:
0x7e: {  	s13 =	sand.u32 $0x1F80, s12;
	p0 =	sne.s32 s12, $0x1FF0  }
.Ltmp2:
0x7f: {  	s14 =	smov.u32 s12;
	s12 =	sadd.s32 $0x10, s12;
	(pc) =	sbr.rel @p0 .LBB2_6-.Ltmp2, $4  }
0x80: {  	s14 =	sand.u32 $0x70, s14;
	s13 =	sadd.s32 s13, s10  }
0x81: {  	s13 =	sadd.s32 s14, s13;
	vm0 =	vgt.s32 v4, v1  }
0x82: {  	s11 =	sadd.s32 $0x10, s11;
	v4 =	vld [tilespmem:s13+$0x0];
	v6 =	vsel vm0, $0x0, v5;
	v7 =	vsel vm0, $0x0, v3  }
0x83: {  	v5 =	vld [tilespmem:s11+$0x0];
	v2 =	vadd.f32 v6, v2;
	v0 =	vadd.f32 v7, v0  }
0x84: {  	s9 =	sadd.s32 $0x1, s9  }
0x85: {  	p0 =	sne.s32 s9, $0x8  }
.Ltmp3:
0x86: {  	_ = 	snop;
	(pc) =	sbr.rel @p0 .LBB2_5-.Ltmp3, $4  }
0x87: {  	_ = 	snop  }
0x88: {  	vm0 =	vgt.s32 v4, v1  }
0x89: {  	v4 =	vsel vm0, $0x0, v5;
	v5 =	vsel vm0, $0x0, v3  }
0x8a: {  	v2 =	vadd.f32 v4, v2;
	v0 =	vadd.f32 v5, v0  }
0x8b: {  	_ = 	snop  }
0x8c: {  	s6 =	simm.s32 $0x12000;
	s5 =	simm.s32 $0x1;
	[tilespmem:$0x12000] =	vst v2  }
0x8d: {  	[spmem:s4] =	stream.linear.scatter [tilespmem:s6], [sflag:$0x1], $0x10, $0x38;
	[tilespmem:$0x12190] =	vst v63  }
0x8e: {  	_ =	swait.ge [sflag:s5], $0x10  }
0x8f: {  	[sflag:s5] =	ssyncset.done $0x0  }
0x90: {  	[sflag:s5] =	ssyncadd.s32 $0xFFFFFFF0  }
0x91: {  	s7 =	simm.s32 $0x12080;
	[bflag:$0x0] =	sbarrier.arrive $0xFFFF  }
0x92: {  	[tilespmem:s7], [sflag:$0x1] =	stream.linear.gather [spmem:s3], $0x100, $0x38;
	[tilespmem:$0x12190] =	vst v63  }
0x93: {  	_ =	swait.ge [sflag:s5], $0x100  }
0x94: {  	[sflag:s5] =	ssyncset.done $0x0  }
0x95: {  	[sflag:s5] =	ssyncadd.s32 $0xFFFFFF00  }
0x96: {  	v9 =	vld [tilespmem:$0x12080]  }
0x97: {  	v10 =	vld [tilespmem:$0x12090]  }
0x98: {  	v11 =	vld [tilespmem:$0x120A0]  }
0x99: {  	v12 =	vld [tilespmem:$0x120B0]  }
0x9a: {  	v13 =	vld [tilespmem:$0x120C0]  }
0x9b: {  	v14 =	vld [tilespmem:$0x120D0]  }
0x9c: {  	v15 =	vld [tilespmem:$0x120E0]  }
0x9d: {  	v16 =	vld [tilespmem:$0x120F0]  }
0x9e: {  	v17 =	vld [tilespmem:$0x12100]  }
0x9f: {  	v8 =	vld [tilespmem:$0x12110]  }
0xa0: {  	v6 =	vld [tilespmem:$0x12120]  }
0xa1: {  	v5 =	vld [tilespmem:$0x12130]  }
0xa2: {  	v4 =	vld [tilespmem:$0x12140]  }
0xa3: {  	v3 =	vld [tilespmem:$0x12150]  }
0xa4: {  	v2 =	vld [tilespmem:$0x12160]  }
0xa5: {  	v1 =	vld [tilespmem:$0x12170];
	[bflag:$0x0] =	sbarrier.arrive $0xFFFF  }
0xa6: {  	[tilespmem:$0x12000] =	vst v0  }
0xa7: {  	[spmem:s4] =	stream.linear.scatter [tilespmem:s6], [sflag:$0x1], $0x10, $0x38;
	[tilespmem:$0x12190] =	vst v63  }
0xa8: {  	_ =	swait.ge [sflag:s5], $0x10  }
0xa9: {  	[sflag:s5] =	ssyncset.done $0x0  }
0xaa: {  	[sflag:s5] =	ssyncadd.s32 $0xFFFFFFF0  }
0xab: {  	[bflag:$0x0] =	sbarrier.arrive $0xFFFF  }
0xac: {  	[tilespmem:s7], [sflag:$0x1] =	stream.linear.gather [spmem:s3], $0x100, $0x38;
	[tilespmem:$0x12190] =	vst v63  }
0xad: {  	_ =	swait.ge [sflag:s5], $0x100  }
0xae: {  	[sflag:s5] =	ssyncset.done $0x0  }
0xaf: {  	[sflag:s5] =	ssyncadd.s32 $0xFFFFFF00  }
0xb0: {  	v31 =	vld [tilespmem:$0x12080]  }
0xb1: {  	v30 =	vld [tilespmem:$0x12090]  }
0xb2: {  	v29 =	vld [tilespmem:$0x120A0]  }
0xb3: {  	v28 =	vld [tilespmem:$0x120B0]  }
0xb4: {  	v27 =	vld [tilespmem:$0x120C0]  }
0xb5: {  	v26 =	vld [tilespmem:$0x120D0]  }
0xb6: {  	v25 =	vld [tilespmem:$0x120E0]  }
0xb7: {  	v24 =	vld [tilespmem:$0x120F0]  }
0xb8: {  	v23 =	vld [tilespmem:$0x12100]  }
0xb9: {  	v22 =	vld [tilespmem:$0x12110]  }
0xba: {  	v21 =	vld [tilespmem:$0x12120]  }
0xbb: {  	v20 =	vld [tilespmem:$0x12130]  }
0xbc: {  	v19 =	vld [tilespmem:$0x12140]  }
0xbd: {  	v18 =	vld [tilespmem:$0x12150]  }
0xbe: {  	v7 =	vld [tilespmem:$0x12160]  }
0xbf: {  	p0 =	sne.s32 s2, $0x0;
	v0 =	vld [tilespmem:$0x12170];
	[bflag:$0x0] =	sbarrier.arrive $0xFFFF  }
0xc0: {  	_ =	sfence.sel @p0 $0x180000  }
0xc1: {  	[bflag:$0x0] =	sbarrier.arrive @p0 $0xFFFF  }
0xc2: {  	_ =	strace @p0 $0x90000047  }
0xc3: {  	[bflag:$0x2] =	sbarrier.arrive @p0 $0xFFFF  }
0xc4: {  	_ =	shalt @p0  }
.LBB2_9:
0xc5: {  	v9 =	vadd.f32 $0.0e+00, v9;
	_ =	sdelay $0x1  }
0xc6: {  	v9 =	vadd.f32 v10, v9;
	_ =	sdelay $0x1  }
0xc7: {  	v9 =	vadd.f32 v11, v9;
	_ =	sdelay $0x1  }
0xc8: {  	v9 =	vadd.f32 v12, v9;
	_ =	sdelay $0x1  }
0xc9: {  	v9 =	vadd.f32 v13, v9;
	_ =	sdelay $0x1  }
0xca: {  	v9 =	vadd.f32 v14, v9;
	_ =	sdelay $0x1  }
0xcb: {  	v9 =	vadd.f32 v15, v9;
	_ =	sdelay $0x1  }
0xcc: {  	v9 =	vadd.f32 v16, v9;
	_ =	sdelay $0x1  }
0xcd: {  	v55 =	vadd.f32 $0.0e+00, v31;
	v9 =	vadd.f32 v17, v9;
	_ =	sdelay $0x1  }
0xce: {  	v56 =	vadd.f32 v30, v55;
	v8 =	vadd.f32 v8, v9;
	_ =	sdelay $0x1  }
0xcf: {  	v57 =	vadd.f32 v29, v56;
	v6 =	vadd.f32 v6, v8;
	_ =	sdelay $0x1  }
0xd0: {  	v58 =	vadd.f32 v28, v57;
	v5 =	vadd.f32 v5, v6;
	_ =	sdelay $0x1  }
0xd1: {  	v59 =	vadd.f32 v27, v58;
	v4 =	vadd.f32 v4, v5;
	_ =	sdelay $0x1  }
0xd2: {  	v60 =	vadd.f32 v26, v59;
	v3 =	vadd.f32 v3, v4;
	_ =	sdelay $0x1  }
0xd3: {  	v61 =	vadd.f32 v25, v60;
	v2 =	vadd.f32 v2, v3;
	_ =	sdelay $0x1  }
0xd4: {  	v62 =	vadd.f32 v24, v61;
	v1 =	vadd.f32 v1, v2;
	_ =	sdelay $0x1  }
0xd5: {  	v2 =	vadd.f32 v23, v62;
	(v2sf) =	vpush v1, $0xF  }
0xd6: {  	(v2sf) =	vpush v1, $0xE  }
0xd7: {  	v2 =	vadd.f32 v22, v2;
	(v2sf) =	vpush v1, $0xD  }
0xd8: {  	(v2sf) =	vpush v1, $0xC  }
0xd9: {  	v2 =	vadd.f32 v21, v2;
	(v2sf) =	vpush v1, $0xB  }
0xda: {  	(v2sf) =	vpush v1, $0xA  }
0xdb: {  	v2 =	vadd.f32 v20, v2;
	(v2sf) =	vpush v1, $0x9  }
0xdc: {  	(v2sf) =	vpush v1, $0x8  }
0xdd: {  	v2 =	vadd.f32 v19, v2;
	(v2sf) =	vpush v1, $0x7  }
0xde: {  	(v2sf) =	vpush v1, $0x6  }
0xdf: {  	v2 =	vadd.f32 v18, v2;
	(v2sf) =	vpush v1, $0x5  }
0xe0: {  	(v2sf) =	vpush v1, $0x4  }
0xe1: {  	v2 =	vadd.f32 v7, v2;
	(v2sf) =	vpush v1, $0x3  }
0xe2: {  	(v2sf) =	vpush v1, $0x2  }
0xe3: {  	v0 =	vadd.f32 v0, v2;
	(v2sf) =	vpush v1, $0x0  }
0xe4: {  	s2 =	spop (v2sf);
	(v2sf) =	vpush v1, $0x1  }
0xe5: {  	s3 =	spop (v2sf);
	(v2sf) =	vpush v0, $0x0  }
0xe6: {  	s4 =	spop (v2sf);
	(v2sf) =	vpush v0, $0x1  }
0xe7: {  	s7 =	spop (v2sf)  }
0xe8: {  	(v2sf) =	vpush v0, $0x2;
	s8 =	spop (v2sf)  }
0xe9: {  	s9 =	spop (v2sf)  }
0xea: {  	(v2sf) =	vpush v0, $0x3;
	s10 =	spop (v2sf)  }
0xeb: {  	s11 =	spop (v2sf)  }
0xec: {  	(v2sf) =	vpush v0, $0x4;
	s12 =	spop (v2sf)  }
0xed: {  	s13 =	spop (v2sf)  }
0xee: {  	(v2sf) =	vpush v0, $0x5;
	s14 =	spop (v2sf)  }
0xef: {  	s15 =	spop (v2sf)  }
0xf0: {  	(v2sf) =	vpush v0, $0x6;
	s16 =	spop (v2sf)  }
0xf1: {  	s17 =	spop (v2sf)  }
0xf2: {  	(v2sf) =	vpush v0, $0x7;
	s18 =	spop (v2sf)  }
0xf3: {  	s19 =	spop (v2sf)  }
0xf4: {  	(v2sf) =	vpush v0, $0x8;
	s20 =	spop (v2sf)  }
0xf5: {  	s21 =	spop (v2sf)  }
0xf6: {  	(v2sf) =	vpush v0, $0x9;
	s20 =	sadd.f32 s21, s20  }
0xf7: {  	s23 =	spop (v2sf)  }
0xf8: {  	(v2sf) =	vpush v0, $0xA;
	s20 =	sadd.f32 s20, s23  }
0xf9: {  	s24 =	spop (v2sf)  }
0xfa: {  	(v2sf) =	vpush v0, $0xB;
	s20 =	sadd.f32 s20, s24  }
0xfb: {  	s25 =	spop (v2sf)  }
0xfc: {  	(v2sf) =	vpush v0, $0xC;
	s20 =	sadd.f32 s20, s25  }
0xfd: {  	s26 =	spop (v2sf)  }
0xfe: {  	(v2sf) =	vpush v0, $0xD;
	s20 =	sadd.f32 s20, s26  }
0xff: {  	s28 =	spop (v2sf)  }
0x100: {  	(v2sf) =	vpush v0, $0xE;
	s20 =	sadd.f32 s20, s28  }
0x101: {  	s18 =	sadd.f32 s19, s18;
	s29 =	spop (v2sf)  }
0x102: {  	(v2sf) =	vpush v0, $0xF;
	s19 =	sadd.f32 s20, s29  }
0x103: {  	s17 =	sadd.f32 s18, s17;
	s30 =	spop (v2sf)  }
0x104: {  	s18 =	sadd.f32 s19, s30  }
0x105: {  	s16 =	sadd.f32 s17, s16;
	s31 =	spop (v2sf)  }
0x106: {  	s18 =	sadd.f32 s18, s31  }
0x107: {  	s15 =	sadd.f32 s16, s15;
	s19 =	spop (v2sf)  }
0x108: {  	s20 =	sadd.f32 s18, s19  }
0x109: {  	s14 =	sadd.f32 s15, s14;
	s21 =	spop (v2sf)  }
0x10a: {  	s22 =	sadd.f32 s20, s21  }
0x10b: {  	s13 =	sadd.f32 s14, s13;
	s23 =	spop (v2sf)  }
0x10c: {  	s24 =	sadd.f32 s22, s23  }
0x10d: {  	s12 =	sadd.f32 s13, s12;
	s25 =	spop (v2sf)  }
0x10e: {  	s26 =	sadd.f32 s24, s25  }
0x10f: {  	s11 =	sadd.f32 s12, s11;
	s28 =	spop (v2sf)  }
0x110: {  	s29 =	sadd.f32 s26, s28  }
0x111: {  	s10 =	sadd.f32 s11, s10;
	s30 =	spop (v2sf)  }
0x112: {  	s11 =	sadd.f32 s29, s30  }
0x113: {  	s9 =	sadd.f32 s10, s9  }
0x114: {  	v63 =	vmov s11  }
0x115: {  	s8 =	sadd.f32 s9, s8;
	(erf) = vrcp.f32 v63;
	_ =	sdelay $0x1  }
0x116: {  	s7 =	sadd.f32 s8, s7;
	_ =	sdelay $0x1  }
0x117: {  	s4 =	sadd.f32 s7, s4;
	_ =	sdelay $0x1  }
0x118: {  	s3 =	sadd.f32 s4, s3;
	_ =	sdelay $0x1  }
0x119: {  	s2 =	sadd.f32 s3, s2  }
0x11a: {  	v0 =	vpop (erf)  }
0x11b: {  	v0 =	vmul.f32 s2, v0;
	_ =	sdelay $0x1  }
0x11c: {  	s31 =	simm.s32 $0x0;
	[tilespmem:$0x12000] =	vst v0  }
0x11d: {  	[hbm4b:s1+s31] =	stream.linear.scatter [tilespmem:s6], [sflag:$0x1], $0x80, $0x38;
	[tilespmem:$0x12190] =	vst v63  }
0x11e: {  	_ =	swait.ge [sflag:s5], $0x80  }
0x11f: {  	[sflag:s5] =	ssyncset.done $0x0  }
0x120: {  	[sflag:s5] =	ssyncadd.s32 $0xFFFFFF80  }
0x121: {  	_ =	sfence.sel $0x180000  }
0x122: {  	[bflag:$0x0] =	sbarrier.arrive $0xFFFF  }
0x123: {  	_ =	strace $0x90000047  }
0x124: {  	s0 =	sadd.s32 $0x100000, s0;
	[bflag:$0x2] =	sbarrier.arrive $0xFFFF  }
0x125: {  	[sflag:s0] =	ssyncadd.tile.s32 $0x1;
	_ =	shalt  }
.Lfunc_end2:
_tile_overlayer_lowered:
.L_overlay_start_2:
0x126: {  	(tag) =	ssettag $0x2  }
0x127: {  	s0 =	rddreg [dreg:$0x0];
	s2 =	stileid.u32  }
0x128: {  	s1 =	rddreg [dreg:$0x1];
	p0 =	sne.s32 s2, $0x0  }
0x129: {  	s3 =	rddreg [dreg:$0x2];
	[bflag:$0x3] =	sbarrier.arrive $0xFFFF;
	s2 =	simm.s32 @!p0 $0x1C01  }
0x12a: {  	[timem:s3], [sflag:s2] =	dma.local @!p0 [hbm:s0], s1  }
0x12b: {  	s0 =	simm.s32 @!p0 $0x1  }
0x12c: {  	_ =	swait.ge @!p0 [sflag:s0], s1  }
0x12d: {  	s1 =	ssub.s32 @!p0 $0x0, s1;
	[sflag:s0] =	ssyncset.done @!p0 $0x0  }
0x12e: {  	[sflag:s0] =	ssyncadd.s32 @!p0 s1  }
0x12f: {  	[bflag:$0x3] =	sbarrier.arrive $0xFFFF  }
0x130: {  	_ =	shalt  }

</sc_bundles>
